<compile_context>
chip_gen: v7x
topology: tpu7x:2x2x1
jax: 0.10.2.dev20260603
libtpu: 0.0.44.dev20260713+nightly
codegen_flags: <defaults>
</compile_context>

<pallas_src>
import jax
import jax.numpy as jnp
from jax import lax
from jax.experimental import pallas as pl
from jax.experimental.pallas import tpu as pltpu
from jax.experimental.pallas import tpu_sc as plsc

T = 1235
NH = 16
NROWS = 3721
NROWS_PAD = NROWS + 1
ROW_PAD = 1248
NC, NS = 2, 16
NW = NC * NS
LV1, LV2 = 961, 1186
HGRP = 16
NBUF = 3
NCHUNK = T // 16 + 1
LAST_OFF = T - 16

W_LV1, W_LV2 = 24, 30
SHARES = (41, 38, 25)


def _sc_body(table_hbm, rpi_hbm, out_hbm, table_v, pos_v, stage_v, sem_in, sem_out):
    wid = lax.axis_index("s") * NC + lax.axis_index("c")
    lv = (wid >= W_LV1).astype(jnp.int32) + (wid >= W_LV2).astype(jnp.int32)

    def pick(a, b, c):
        return jnp.where(lv == 0, a, jnp.where(lv == 1, b, c))

    base = pick(0, LV1, LV2)
    w_in = wid - pick(0, W_LV1, W_LV2)
    share = pick(*SHARES)
    limit = pick(LV1, LV2 - LV1, T - LV2)
    s0 = jnp.minimum(w_in * share, limit)
    r0 = base + s0
    nrows = jnp.minimum(s0 + share, limit) - s0

    pltpu.sync_copy(table_hbm.at[lv], table_v)
    pltpu.sync_copy(rpi_hbm.at[r0], pos_v.at[0])

    def row_body(idx, slot):
        r = r0 + idx
        pslot = jnp.bitwise_and(idx, 1)

        @pl.when(idx + 1 < nrows)
        def _():
            pltpu.make_async_copy(
                rpi_hbm.at[r + 1], pos_v.at[1 - pslot], sem_in
            ).start()

        @pl.when(idx > 0)
        def _():
            pltpu.make_async_copy(
                rpi_hbm.at[r], pos_v.at[pslot], sem_in
            ).wait()

        @pl.when(idx >= NBUF)
        def _():
            pltpu.make_async_copy(
                stage_v.at[slot], out_hbm.at[:, pl.ds(r - NBUF, 1), :], sem_out
            ).wait()

        def interp(c):
            off = jnp.minimum(c * 16, LAST_OFF)
            pos = pos_v[pslot, pl.ds(off, 16)]
            pos = jnp.minimum(jnp.maximum(pos, 0.0), float(NROWS - 1))
            pf = pos.astype(jnp.int32)
            wc = pos - pf.astype(jnp.float32)
            return pf, 1.0 - wc, wc

        def chunk_body(c, carry2):
            pf, wf, wc = carry2
            off = jnp.minimum(c * 16, LAST_OFF)
            nxt = interp(c + 1)
            for g_ in range(0, NH, HGRP):
                ws = [plsc.load_gather(table_v, [pf + (h * NROWS_PAD)])
                      for h in range(g_, g_ + HGRP)]
                for k, h in enumerate(range(g_, g_ + HGRP)):
                    vf = plsc.bitcast(ws[k], jnp.float32)
                    vc = plsc.bitcast(lax.shift_left(ws[k], 16), jnp.float32)
                    stage_v[slot, h, 0, pl.ds(off, 16)] = (
                        wf * vf + wc * vc
                    )
            return nxt

        lax.fori_loop(0, NCHUNK, chunk_body, interp(0), unroll=False)

        pltpu.make_async_copy(
            stage_v.at[slot], out_hbm.at[:, pl.ds(r, 1), :], sem_out
        ).start()
        return jnp.where(slot == NBUF - 1, 0, slot + 1)

    lax.fori_loop(0, nrows, row_body, 0, unroll=False)

    for j in range(NBUF):
        @pl.when(nrows >= j + 1)
        def _():
            pltpu.make_async_copy(
                stage_v.at[0], out_hbm.at[:, pl.ds(r0, 1), :], sem_out
            ).wait()


@jax.jit
def _run(table3, rpi_pad):
    mesh = plsc.VectorSubcoreMesh(core_axis_name="c", subcore_axis_name="s")
    return pl.kernel(
        _sc_body,
        mesh=mesh,
        out_type=jax.ShapeDtypeStruct((NH, T, T), jnp.float32),
        scratch_types=[
            pltpu.VMEM((NH * NROWS_PAD,), jnp.int32),
            pltpu.VMEM((2, ROW_PAD), jnp.float32),
            pltpu.VMEM((NBUF, NH, 1, T), jnp.float32),
            pltpu.SemaphoreType.DMA,
            pltpu.SemaphoreType.DMA,
        ],
        compiler_params=pltpu.CompilerParams(needs_layout_passes=False),
    )(table3, rpi_pad)


def kernel(relative_position_bias_table, absolute_position_bias, relative_position_index):
    tb = relative_position_bias_table[None] + absolute_position_bias.reshape(3, 1, NH)
    tb = jnp.concatenate([tb, tb[:, -1:, :]], axis=1)
    lo = lax.bitcast_convert_type(tb[:, :-1, :].astype(jnp.bfloat16), jnp.uint16)
    hi = lax.bitcast_convert_type(tb[:, 1:, :].astype(jnp.bfloat16), jnp.uint16)
    pair = (lo.astype(jnp.uint32) << 16) | hi.astype(jnp.uint32)
    pair = lax.bitcast_convert_type(pair, jnp.int32)
    tbp = jnp.pad(pair.transpose(0, 2, 1), ((0, 0), (0, 0), (0, 1)))
    table3 = tbp.reshape(3, NH * NROWS_PAD)
    one = jnp.where(relative_position_bias_table[0, 0] < 1e30,
                    jnp.float32(1.0), jnp.float32(2.0))
    rpi_pad = jnp.pad(relative_position_index, ((0, 0), (0, ROW_PAD - T))) * one
    out = _run(table3, rpi_pad)
    return out.reshape(1, NH, 1, T, T)

# --- scband reference (transcript-rebuilt; emitter-appended) ---
"""Pipeline reference for scband-cross-layer-pos-embedding3-d-16870631539401 (READ-ONLY COPY).

The authoritative reference and input builder live on the scoring server;
editing this copy changes nothing except your own understanding.
"""

import jax, jax.numpy as jnp
import numpy as np

WINDOW_SIZE = (31, 15, 7)
NUM_HEADS = 16

def _build_rel_pos_index(window_size):
    ws0 = window_size[0]
    coords_h = [np.arange(ws).astype(np.float64) - ws // 2 for ws in window_size]
    coords_w = [np.arange(ws).astype(np.float64) - ws // 2 for ws in window_size]
    coords_h = [coords_h[i] * ws0 / window_size[i] for i in range(len(coords_h) - 1)] + [coords_h[-1]]
    coords_w = [coords_w[i] * ws0 / window_size[i] for i in range(len(coords_w) - 1)] + [coords_w[-1]]
    coords = []
    for ch, cw in zip(coords_h, coords_w):
        gh, gw = np.meshgrid(ch, cw, indexing='ij')
        coords.append(np.stack([gh, gw]))
    coords_flatten = np.concatenate([c.reshape(2, -1) for c in coords], axis=-1)
    rel = coords_flatten[:, :, None] - coords_flatten[:, None, :]
    rel = np.transpose(rel, (1, 2, 0)).copy()
    rel[:, :, 0] += ws0 - 1
    rel[:, :, 1] += ws0 - 1
    rel[:, :, 0] *= 2 * ws0 - 1
    return rel.sum(-1).astype(np.float32)

def setup_inputs(seed: int = 0) -> dict:
    key = jax.random.key(seed)
    k1, k2 = jax.random.split(key)
    table_rows = (2 * WINDOW_SIZE[0] - 1) ** 2
    table = jax.random.normal(k1, (table_rows, NUM_HEADS), dtype=jnp.float32) * 0.02
    abs_bias = jax.random.normal(k2, (len(WINDOW_SIZE), NUM_HEADS, 1, 1, 1), dtype=jnp.float32) * 0.02
    rpi = jnp.asarray(_build_rel_pos_index(WINDOW_SIZE))
    return {"relative_position_bias_table": table, "absolute_position_bias": abs_bias, "relative_position_index": rpi}

def _forward(table, abs_bias, rpi):
    ntk = [i ** 2 for i in WINDOW_SIZE]
    T = sum(ntk)
    n_rows = table.shape[0]
    pos = rpi.reshape(-1)
    pf = jnp.clip(jnp.floor(pos).astype(jnp.int32), 0, n_rows - 1)
    pc = jnp.clip(jnp.ceil(pos).astype(jnp.int32), 0, n_rows - 1)
    vf = jnp.take(table, pf, axis=0)
    vc = jnp.take(table, pc, axis=0)
    wc = pos - pf.astype(jnp.float32)
    wf = 1.0 - wc
    pe = wf[:, None] * vf + wc[:, None] * vc
    pe = pe.reshape(1, 1, T, T, NUM_HEADS).transpose(0, 4, 1, 2, 3)
    pieces = []
    off = 0
    for li, n in enumerate(ntk):
        chunk = pe[:, :, :, off:off + n, :]
        le = abs_bias[li:li + 1]
        pieces.append(chunk + le)
        off += n
    return jnp.concatenate(pieces, axis=-2)

def reference(relative_position_bias_table, absolute_position_bias, relative_position_index):
    return _forward(relative_position_bias_table, absolute_position_bias, relative_position_index)

if __name__ == "__main__":
    import jax
    _d = setup_inputs()
    print(jax.jit(kernel)(*tuple(_d.values())))

</pallas_src>

<mosaic_0001>
#map = affine_map<(d0, d1) -> (0, 0)>
#map1 = affine_map<(d0, d1) -> (0, 0, 0)>
module attributes {stable_mosaic.version = 14 : i64} {
  func.func @_sc_body(%arg0: i32, %arg1: i32, %arg2: memref<3x59552xi32, #tpu.memory_space<hbm>>, %arg3: memref<1235x1248xf32, #tpu.memory_space<hbm>>, %arg4: memref<16x1235x1235xf32, #tpu.memory_space<hbm>>, %arg5: memref<59552xi32, #tpu.memory_space<vmem>>, %arg6: memref<2x1248xf32, #tpu.memory_space<vmem>>, %arg7: memref<3x16x1x1235xf32, #tpu.memory_space<vmem>>, %arg8: memref<!tpu.dma_semaphore, #tpu.memory_space<semaphore_mem>>, %arg9: memref<!tpu.dma_semaphore, #tpu.memory_space<semaphore_mem>>) attributes {dimension_semantics = [#tpu.dimension_semantics<core_parallel>, #tpu.dimension_semantics<subcore_parallel>], iteration_bounds = array<i64: 2, 16>, scalar_prefetch = 0 : i64, scratch_operands = 5 : i64, tpu.core_type = #tpu.core_type<sc_vector_subcore>, window_params = [{transform_indices = #map}, {transform_indices = #map}, {transform_indices = #map1}]} {
    %mul3A = arith.constant 2 : i32
    %mul3A_0 = arith.muli %arg1, %mul3A : i32
    %add3A = arith.addi %mul3A_0, %arg0 : i32
    %ge3A = arith.constant 24 : i32
    %ge3A_1 = arith.cmpi sge, %add3A, %ge3A : i32
    %convert_element_type3A = arith.extui %ge3A_1 : i1 to i32
    %ge3A_2 = arith.constant 30 : i32
    %ge3A_3 = arith.cmpi sge, %add3A, %ge3A_2 : i32
    %convert_element_type3A_4 = arith.extui %ge3A_3 : i1 to i32
    %add3A_5 = arith.addi %convert_element_type3A, %convert_element_type3A_4 : i32
    %eq3A = arith.constant 0 : i32
    %eq3A_6 = arith.cmpi eq, %add3A_5, %eq3A : i32
    %eq3A_7 = arith.constant 1 : i32
    %eq3A_8 = arith.cmpi eq, %add3A_5, %eq3A_7 : i32
    %jit3A = arith.constant 961 : i32
    %jit3A_9 = arith.constant 1186 : i32
    %select_n3A = arith.select %eq3A_8, %jit3A, %jit3A_9 : i32
    %jit3A_10 = arith.constant 0 : i32
    %select_n3A_11 = arith.select %eq3A_6, %jit3A_10, %select_n3A : i32
    %eq3A_12 = arith.constant 0 : i32
    %eq3A_13 = arith.cmpi eq, %add3A_5, %eq3A_12 : i32
    %eq3A_14 = arith.constant 1 : i32
    %eq3A_15 = arith.cmpi eq, %add3A_5, %eq3A_14 : i32
    %jit3A_16 = arith.constant 24 : i32
    %jit3A_17 = arith.constant 30 : i32
    %select_n3A_18 = arith.select %eq3A_15, %jit3A_16, %jit3A_17 : i32
    %jit3A_19 = arith.constant 0 : i32
    %select_n3A_20 = arith.select %eq3A_13, %jit3A_19, %select_n3A_18 : i32
    %sub3A = arith.subi %add3A, %select_n3A_20 : i32
    %eq3A_21 = arith.constant 0 : i32
    %eq3A_22 = arith.cmpi eq, %add3A_5, %eq3A_21 : i32
    %eq3A_23 = arith.constant 1 : i32
    %eq3A_24 = arith.cmpi eq, %add3A_5, %eq3A_23 : i32
    %jit3A_25 = arith.constant 38 : i32
    %jit3A_26 = arith.constant 25 : i32
    %select_n3A_27 = arith.select %eq3A_24, %jit3A_25, %jit3A_26 : i32
    %jit3A_28 = arith.constant 41 : i32
    %select_n3A_29 = arith.select %eq3A_22, %jit3A_28, %select_n3A_27 : i32
    %eq3A_30 = arith.constant 0 : i32
    %eq3A_31 = arith.cmpi eq, %add3A_5, %eq3A_30 : i32
    %eq3A_32 = arith.constant 1 : i32
    %eq3A_33 = arith.cmpi eq, %add3A_5, %eq3A_32 : i32
    %jit3A_34 = arith.constant 225 : i32
    %jit3A_35 = arith.constant 49 : i32
    %select_n3A_36 = arith.select %eq3A_33, %jit3A_34, %jit3A_35 : i32
    %jit3A_37 = arith.constant 961 : i32
    %select_n3A_38 = arith.select %eq3A_31, %jit3A_37, %select_n3A_36 : i32
    %mul3A_39 = arith.muli %sub3A, %select_n3A_29 : i32
    %min3A = arith.minsi %mul3A_39, %select_n3A_38 : i32
    %add3A_40 = arith.addi %select_n3A_11, %min3A : i32
    %add3A_41 = arith.addi %min3A, %select_n3A_29 : i32
    %min3A_42 = arith.minsi %add3A_41, %select_n3A_38 : i32
    %sub3A_43 = arith.subi %min3A_42, %min3A : i32
    "tpu.region"() ({
      %run_scoped3A_69 = tpu.sem_alloc : memref<!tpu.dma_semaphore, #tpu.memory_space<semaphore_mem>>
      %dma_start3A = arith.constant 0 : i32
      %dma_start3A_70 = tpu.memref_slice %arg2[%add3A_5, %dma_start3A] : memref<3x59552xi32, #tpu.memory_space<hbm>> -> memref<1x59552xi32, #tpu.memory_space<hbm>>
      %dma_start3A_71 = tpu.memref_squeeze %dma_start3A_70 : memref<1x59552xi32, #tpu.memory_space<hbm>> -> memref<59552xi32, #tpu.memory_space<hbm>>
      %dma_start3A_72 = arith.constant 0 : i32
      %dma_start3A_73 = tpu.memref_slice %arg2[%add3A_5, %dma_start3A_72] : memref<3x59552xi32, #tpu.memory_space<hbm>> -> memref<1x59552xi32, #tpu.memory_space<hbm>>
      %dma_start3A_74 = tpu.memref_squeeze %dma_start3A_73 : memref<1x59552xi32, #tpu.memory_space<hbm>> -> memref<59552xi32, #tpu.memory_space<hbm>>
      tpu.enqueue_dma source(%dma_start3A_74 : memref<59552xi32, #tpu.memory_space<hbm>>) target(%arg5 : memref<59552xi32, #tpu.memory_space<vmem>>) target_semaphore(%run_scoped3A_69 : memref<!tpu.dma_semaphore, #tpu.memory_space<semaphore_mem>>)
      %dma_wait3A = arith.constant 0 : i32
      %dma_wait3A_75 = tpu.memref_slice %arg2[%add3A_5, %dma_wait3A] : memref<3x59552xi32, #tpu.memory_space<hbm>> -> memref<1x59552xi32, #tpu.memory_space<hbm>>
      %dma_wait3A_76 = tpu.memref_squeeze %dma_wait3A_75 : memref<1x59552xi32, #tpu.memory_space<hbm>> -> memref<59552xi32, #tpu.memory_space<hbm>>
      %dma_wait3A_77 = arith.constant 0 : i32
      %dma_wait3A_78 = tpu.memref_slice %arg2[%add3A_5, %dma_wait3A_77] : memref<3x59552xi32, #tpu.memory_space<hbm>> -> memref<1x59552xi32, #tpu.memory_space<hbm>>
      %dma_wait3A_79 = tpu.memref_squeeze %dma_wait3A_78 : memref<1x59552xi32, #tpu.memory_space<hbm>> -> memref<59552xi32, #tpu.memory_space<hbm>>
      tpu.wait_dma2 semaphore(%run_scoped3A_69 : memref<!tpu.dma_semaphore, #tpu.memory_space<semaphore_mem>>) src(%dma_wait3A_79 : memref<59552xi32, #tpu.memory_space<hbm>>) dst(%arg5 : memref<59552xi32, #tpu.memory_space<vmem>>)
      tpu.yield
    }) : () -> ()
    %run_scoped3A = arith.constant 0 : i32
    "tpu.region"() ({
      %run_scoped3A_69 = tpu.sem_alloc : memref<!tpu.dma_semaphore, #tpu.memory_space<semaphore_mem>>
      %dma_start3A = arith.constant 0 : i32
      %dma_start3A_70 = tpu.memref_slice %arg6[%run_scoped3A, %dma_start3A] : memref<2x1248xf32, #tpu.memory_space<vmem>> -> memref<1x1248xf32, #tpu.memory_space<vmem>>
      %dma_start3A_71 = tpu.memref_squeeze %dma_start3A_70 : memref<1x1248xf32, #tpu.memory_space<vmem>> -> memref<1248xf32, #tpu.memory_space<vmem>>
      %dma_start3A_72 = arith.constant 0 : i32
      %dma_start3A_73 = tpu.memref_slice %arg3[%add3A_40, %dma_start3A_72] : memref<1235x1248xf32, #tpu.memory_space<hbm>> -> memref<1x1248xf32, #tpu.memory_space<hbm>>
      %dma_start3A_74 = tpu.memref_squeeze %dma_start3A_73 : memref<1x1248xf32, #tpu.memory_space<hbm>> -> memref<1248xf32, #tpu.memory_space<hbm>>
      %dma_start3A_75 = arith.constant 0 : i32
      %dma_start3A_76 = tpu.memref_slice %arg6[%run_scoped3A, %dma_start3A_75] : memref<2x1248xf32, #tpu.memory_space<vmem>> -> memref<1x1248xf32, #tpu.memory_space<vmem>>
      %dma_start3A_77 = tpu.memref_squeeze %dma_start3A_76 : memref<1x1248xf32, #tpu.memory_space<vmem>> -> memref<1248xf32, #tpu.memory_space<vmem>>
      %dma_start3A_78 = arith.constant 0 : i32
      %dma_start3A_79 = tpu.memref_slice %arg3[%add3A_40, %dma_start3A_78] : memref<1235x1248xf32, #tpu.memory_space<hbm>> -> memref<1x1248xf32, #tpu.memory_space<hbm>>
      %dma_start3A_80 = tpu.memref_squeeze %dma_start3A_79 : memref<1x1248xf32, #tpu.memory_space<hbm>> -> memref<1248xf32, #tpu.memory_space<hbm>>
      tpu.enqueue_dma source(%dma_start3A_80 : memref<1248xf32, #tpu.memory_space<hbm>>) target(%dma_start3A_77 : memref<1248xf32, #tpu.memory_space<vmem>>) target_semaphore(%run_scoped3A_69 : memref<!tpu.dma_semaphore, #tpu.memory_space<semaphore_mem>>)
      %dma_wait3A = arith.constant 0 : i32
      %dma_wait3A_81 = tpu.memref_slice %arg6[%run_scoped3A, %dma_wait3A] : memref<2x1248xf32, #tpu.memory_space<vmem>> -> memref<1x1248xf32, #tpu.memory_space<vmem>>
      %dma_wait3A_82 = tpu.memref_squeeze %dma_wait3A_81 : memref<1x1248xf32, #tpu.memory_space<vmem>> -> memref<1248xf32, #tpu.memory_space<vmem>>
      %dma_wait3A_83 = arith.constant 0 : i32
      %dma_wait3A_84 = tpu.memref_slice %arg3[%add3A_40, %dma_wait3A_83] : memref<1235x1248xf32, #tpu.memory_space<hbm>> -> memref<1x1248xf32, #tpu.memory_space<hbm>>
      %dma_wait3A_85 = tpu.memref_squeeze %dma_wait3A_84 : memref<1x1248xf32, #tpu.memory_space<hbm>> -> memref<1248xf32, #tpu.memory_space<hbm>>
      %dma_wait3A_86 = arith.constant 0 : i32
      %dma_wait3A_87 = tpu.memref_slice %arg6[%run_scoped3A, %dma_wait3A_86] : memref<2x1248xf32, #tpu.memory_space<vmem>> -> memref<1x1248xf32, #tpu.memory_space<vmem>>
      %dma_wait3A_88 = tpu.memref_squeeze %dma_wait3A_87 : memref<1x1248xf32, #tpu.memory_space<vmem>> -> memref<1248xf32, #tpu.memory_space<vmem>>
      %dma_wait3A_89 = arith.constant 0 : i32
      %dma_wait3A_90 = tpu.memref_slice %arg3[%add3A_40, %dma_wait3A_89] : memref<1235x1248xf32, #tpu.memory_space<hbm>> -> memref<1x1248xf32, #tpu.memory_space<hbm>>
      %dma_wait3A_91 = tpu.memref_squeeze %dma_wait3A_90 : memref<1x1248xf32, #tpu.memory_space<hbm>> -> memref<1248xf32, #tpu.memory_space<hbm>>
      tpu.wait_dma2 semaphore(%run_scoped3A_69 : memref<!tpu.dma_semaphore, #tpu.memory_space<semaphore_mem>>) src(%dma_wait3A_91 : memref<1248xf32, #tpu.memory_space<hbm>>) dst(%dma_wait3A_88 : memref<1248xf32, #tpu.memory_space<vmem>>)
      tpu.yield
    }) : () -> ()
    %while3A = arith.constant 0 : i32
    %while3A_44 = arith.constant 0 : i32
    %while3A_45 = arith.subi %sub3A_43, %while3A : i32
    %while3A_46 = arith.addi %while3A, %while3A_45 : i32
    %while3A_47 = arith.constant 1 : i32
    %while3A_48 = arith.divsi %while3A_45, %while3A_47 : i32
    %while3A_49 = arith.muli %while3A_48, %while3A_47 : i32
    %while3A_50 = arith.addi %while3A, %while3A_49 : i32
    %while3A_51 = arith.constant 1 : i32
    %while3A_52 = scf.for %while3A_69 = %while3A to %while3A_50 step %while3A_51 iter_args(%while3A_70 = %while3A_44) -> (i32)  : i32 {
      %add3A_71 = arith.addi %add3A_40, %while3A_69 : i32
      %and3A = arith.constant 1 : i32
      %and3A_72 = arith.andi %while3A_69, %and3A : i32
      %add3A_73 = arith.constant 1 : i32
      %add3A_74 = arith.addi %while3A_69, %add3A_73 : i32
      %lt3A = arith.cmpi slt, %add3A_74, %sub3A_43 : i32
      %convert_element_type3A_75 = arith.extui %lt3A : i1 to i32
      %cond3A_76 = arith.constant 0 : i32
      %cond3A_77 = arith.cmpi ne, %convert_element_type3A_75, %cond3A_76 : i32
      scf.if %cond3A_77 {
        %add3A_129 = arith.constant 1 : i32
        %add3A_130 = arith.addi %add3A_71, %add3A_129 : i32
        %sub3A_131 = arith.constant 1 : i32
        %sub3A_132 = arith.subi %sub3A_131, %and3A_72 : i32
        %dma_start3A_133 = arith.constant 0 : i32
        %dma_start3A_134 = tpu.memref_slice %arg6[%sub3A_132, %dma_start3A_133] : memref<2x1248xf32, #tpu.memory_space<vmem>> -> memref<1x1248xf32, #tpu.memory_space<vmem>>
        %dma_start3A_135 = tpu.memref_squeeze %dma_start3A_134 : memref<1x1248xf32, #tpu.memory_space<vmem>> -> memref<1248xf32, #tpu.memory_space<vmem>>
        %dma_start3A_136 = arith.constant 0 : i32
        %dma_start3A_137 = tpu.memref_slice %arg3[%add3A_130, %dma_start3A_136] : memref<1235x1248xf32, #tpu.memory_space<hbm>> -> memref<1x1248xf32, #tpu.memory_space<hbm>>
        %dma_start3A_138 = tpu.memref_squeeze %dma_start3A_137 : memref<1x1248xf32, #tpu.memory_space<hbm>> -> memref<1248xf32, #tpu.memory_space<hbm>>
        %dma_start3A_139 = arith.constant 0 : i32
        %dma_start3A_140 = tpu.memref_slice %arg6[%sub3A_132, %dma_start3A_139] : memref<2x1248xf32, #tpu.memory_space<vmem>> -> memref<1x1248xf32, #tpu.memory_space<vmem>>
        %dma_start3A_141 = tpu.memref_squeeze %dma_start3A_140 : memref<1x1248xf32, #tpu.memory_space<vmem>> -> memref<1248xf32, #tpu.memory_space<vmem>>
        %dma_start3A_142 = arith.constant 0 : i32
        %dma_start3A_143 = tpu.memref_slice %arg3[%add3A_130, %dma_start3A_142] : memref<1235x1248xf32, #tpu.memory_space<hbm>> -> memref<1x1248xf32, #tpu.memory_space<hbm>>
        %dma_start3A_144 = tpu.memref_squeeze %dma_start3A_143 : memref<1x1248xf32, #tpu.memory_space<hbm>> -> memref<1248xf32, #tpu.memory_space<hbm>>
        tpu.enqueue_dma source(%dma_start3A_144 : memref<1248xf32, #tpu.memory_space<hbm>>) target(%dma_start3A_141 : memref<1248xf32, #tpu.memory_space<vmem>>) target_semaphore(%arg8 : memref<!tpu.dma_semaphore, #tpu.memory_space<semaphore_mem>>)
      } else {
      }
      %gt3A = arith.constant 0 : i32
      %gt3A_78 = arith.cmpi sgt, %while3A_69, %gt3A : i32
      %convert_element_type3A_79 = arith.extui %gt3A_78 : i1 to i32
      %cond3A_80 = arith.constant 0 : i32
      %cond3A_81 = arith.cmpi ne, %convert_element_type3A_79, %cond3A_80 : i32
      scf.if %cond3A_81 {
        %dma_wait3A = arith.constant 0 : i32
        %dma_wait3A_129 = tpu.memref_slice %arg6[%and3A_72, %dma_wait3A] : memref<2x1248xf32, #tpu.memory_space<vmem>> -> memref<1x1248xf32, #tpu.memory_space<vmem>>
        %dma_wait3A_130 = tpu.memref_squeeze %dma_wait3A_129 : memref<1x1248xf32, #tpu.memory_space<vmem>> -> memref<1248xf32, #tpu.memory_space<vmem>>
        %dma_wait3A_131 = arith.constant 0 : i32
        %dma_wait3A_132 = tpu.memref_slice %arg3[%add3A_71, %dma_wait3A_131] : memref<1235x1248xf32, #tpu.memory_space<hbm>> -> memref<1x1248xf32, #tpu.memory_space<hbm>>
        %dma_wait3A_133 = tpu.memref_squeeze %dma_wait3A_132 : memref<1x1248xf32, #tpu.memory_space<hbm>> -> memref<1248xf32, #tpu.memory_space<hbm>>
        %dma_wait3A_134 = arith.constant 0 : i32
        %dma_wait3A_135 = tpu.memref_slice %arg6[%and3A_72, %dma_wait3A_134] : memref<2x1248xf32, #tpu.memory_space<vmem>> -> memref<1x1248xf32, #tpu.memory_space<vmem>>
        %dma_wait3A_136 = tpu.memref_squeeze %dma_wait3A_135 : memref<1x1248xf32, #tpu.memory_space<vmem>> -> memref<1248xf32, #tpu.memory_space<vmem>>
        %dma_wait3A_137 = arith.constant 0 : i32
        %dma_wait3A_138 = tpu.memref_slice %arg3[%add3A_71, %dma_wait3A_137] : memref<1235x1248xf32, #tpu.memory_space<hbm>> -> memref<1x1248xf32, #tpu.memory_space<hbm>>
        %dma_wait3A_139 = tpu.memref_squeeze %dma_wait3A_138 : memref<1x1248xf32, #tpu.memory_space<hbm>> -> memref<1248xf32, #tpu.memory_space<hbm>>
        tpu.wait_dma2 semaphore(%arg8 : memref<!tpu.dma_semaphore, #tpu.memory_space<semaphore_mem>>) src(%dma_wait3A_139 : memref<1248xf32, #tpu.memory_space<hbm>>) dst(%dma_wait3A_136 : memref<1248xf32, #tpu.memory_space<vmem>>)
      } else {
      }
      %ge3A_82 = arith.constant 3 : i32
      %ge3A_83 = arith.cmpi sge, %while3A_69, %ge3A_82 : i32
      %convert_element_type3A_84 = arith.extui %ge3A_83 : i1 to i32
      %cond3A_85 = arith.constant 0 : i32
      %cond3A_86 = arith.cmpi ne, %convert_element_type3A_84, %cond3A_85 : i32
      scf.if %cond3A_86 {
        %sub3A_129 = arith.constant 3 : i32
        %sub3A_130 = arith.subi %add3A_71, %sub3A_129 : i32
        %dma_wait3A = arith.constant 0 : i32
        %dma_wait3A_131 = arith.constant 0 : i32
        %dma_wait3A_132 = arith.constant 0 : i32
        %dma_wait3A_133 = tpu.memref_slice %arg7[%while3A_70, %dma_wait3A, %dma_wait3A_131, %dma_wait3A_132] : memref<3x16x1x1235xf32, #tpu.memory_space<vmem>> -> memref<1x16x1x1235xf32, #tpu.memory_space<vmem>>
        %dma_wait3A_134 = tpu.memref_squeeze %dma_wait3A_133 : memref<1x16x1x1235xf32, #tpu.memory_space<vmem>> -> memref<16x1x1235xf32, #tpu.memory_space<vmem>>
        %dma_wait3A_135 = arith.constant 0 : i32
        %dma_wait3A_136 = arith.constant 0 : i32
        %dma_wait3A_137 = tpu.memref_slice %arg4[%dma_wait3A_135, %sub3A_130, %dma_wait3A_136] : memref<16x1235x1235xf32, #tpu.memory_space<hbm>> -> memref<16x1x1235xf32, #tpu.memory_space<hbm>>
        %dma_wait3A_138 = arith.constant 0 : i32
        %dma_wait3A_139 = arith.constant 0 : i32
        %dma_wait3A_140 = tpu.memref_slice %arg4[%dma_wait3A_138, %sub3A_130, %dma_wait3A_139] : memref<16x1235x1235xf32, #tpu.memory_space<hbm>> -> memref<16x1x1235xf32, #tpu.memory_space<hbm>>
        %dma_wait3A_141 = arith.constant 0 : i32
        %dma_wait3A_142 = arith.constant 0 : i32
        %dma_wait3A_143 = arith.constant 0 : i32
        %dma_wait3A_144 = tpu.memref_slice %arg7[%while3A_70, %dma_wait3A_141, %dma_wait3A_142, %dma_wait3A_143] : memref<3x16x1x1235xf32, #tpu.memory_space<vmem>> -> memref<1x16x1x1235xf32, #tpu.memory_space<vmem>>
        %dma_wait3A_145 = tpu.memref_squeeze %dma_wait3A_144 : memref<1x16x1x1235xf32, #tpu.memory_space<vmem>> -> memref<16x1x1235xf32, #tpu.memory_space<vmem>>
        tpu.wait_dma2 semaphore(%arg9 : memref<!tpu.dma_semaphore, #tpu.memory_space<semaphore_mem>>) src(%dma_wait3A_145 : memref<16x1x1235xf32, #tpu.memory_space<vmem>>) dst(%dma_wait3A_140 : memref<16x1x1235xf32, #tpu.memory_space<hbm>>)
      } else {
      }
      %min3A_87 = arith.constant 0 : i32
      %min3A_88 = arith.constant 1219 : i32
      %min3A_89 = arith.minsi %min3A_87, %min3A_88 : i32
      %get3A = arith.index_cast %and3A_72 : i32 to index
      %get3A_90 = arith.index_cast %min3A_89 : i32 to index
      %get3A_91 = tpu.vector_load %arg6[%get3A, %get3A_90] {strides = array<i32>} : memref<2x1248xf32, #tpu.memory_space<vmem>>, vector<16xf32>,
      %max3A = arith.constant 0.000000e+00 : f32
      %max3A_92 = vector.broadcast %max3A : f32 to vector<16xf32>
      %max3A_93 = arith.maximumf %get3A_91, %max3A_92 : vector<16xf32>
      %min3A_94 = arith.constant 3.720000e+03 : f32
      %min3A_95 = vector.broadcast %min3A_94 : f32 to vector<16xf32>
      %min3A_96 = arith.minimumf %max3A_93, %min3A_95 : vector<16xf32>
      %convert_element_type3A_97 = arith.fptosi %min3A_96 : vector<16xf32> to vector<16xi32>
      %convert_element_type3A_98 = arith.sitofp %convert_element_type3A_97 : vector<16xi32> to vector<16xf32>
      %sub3A_99 = arith.subf %min3A_96, %convert_element_type3A_98 : vector<16xf32>
      %sub3A_100 = arith.constant 1.000000e+00 : f32
      %sub3A_101 = vector.broadcast %sub3A_100 : f32 to vector<16xf32>
      %sub3A_102 = arith.subf %sub3A_101, %sub3A_99 : vector<16xf32>
      %scan3A = arith.constant 0 : i32
      %scan3A_103 = arith.constant 78 : i32
      %scan3A_104 = arith.addi %scan3A, %scan3A_103 : i32
      %scan3A_105 = arith.constant 1 : i32
      %scan3A_106:3 = scf.for %scan3A_129 = %scan3A to %scan3A_104 step %scan3A_105 iter_args(%scan3A_130 = %convert_element_type3A_97, %scan3A_131 = %sub3A_102, %scan3A_132 = %sub3A_99) -> (vector<16xi32>, vector<16xf32>, vector<16xf32>)  : i32 {
        %mul3A_133 = arith.constant 16 : i32
        %mul3A_134 = arith.muli %scan3A_129, %mul3A_133 : i32
        %min3A_135 = arith.constant 1219 : i32
        %min3A_136 = arith.minsi %mul3A_134, %min3A_135 : i32
        %add3A_137 = arith.constant 1 : i32
        %add3A_138 = arith.addi %scan3A_129, %add3A_137 : i32
        %mul3A_139 = arith.constant 16 : i32
        %mul3A_140 = arith.muli %add3A_138, %mul3A_139 : i32
        %min3A_141 = arith.constant 1219 : i32
        %min3A_142 = arith.minsi %mul3A_140, %min3A_141 : i32
        %get3A_143 = arith.index_cast %and3A_72 : i32 to index
        %get3A_144 = arith.index_cast %min3A_142 : i32 to index
        %get3A_145 = tpu.vector_load %arg6[%get3A_143, %get3A_144] {strides = array<i32>} : memref<2x1248xf32, #tpu.memory_space<vmem>>, vector<16xf32>,
        %max3A_146 = arith.constant 0.000000e+00 : f32
        %max3A_147 = vector.broadcast %max3A_146 : f32 to vector<16xf32>
        %max3A_148 = arith.maximumf %get3A_145, %max3A_147 : vector<16xf32>
        %min3A_149 = arith.constant 3.720000e+03 : f32
        %min3A_150 = vector.broadcast %min3A_149 : f32 to vector<16xf32>
        %min3A_151 = arith.minimumf %max3A_148, %min3A_150 : vector<16xf32>
        %convert_element_type3A_152 = arith.fptosi %min3A_151 : vector<16xf32> to vector<16xi32>
        %convert_element_type3A_153 = arith.sitofp %convert_element_type3A_152 : vector<16xi32> to vector<16xf32>
        %sub3A_154 = arith.subf %min3A_151, %convert_element_type3A_153 : vector<16xf32>
        %sub3A_155 = arith.constant 1.000000e+00 : f32
        %sub3A_156 = vector.broadcast %sub3A_155 : f32 to vector<16xf32>
        %sub3A_157 = arith.subf %sub3A_156, %sub3A_154 : vector<16xf32>
        %add3A_158 = arith.constant 0 : i32
        %add3A_159 = vector.broadcast %add3A_158 : i32 to vector<16xi32>
        %add3A_160 = arith.addi %scan3A_130, %add3A_159 : vector<16xi32>
        %gather3A = tpu.vector_load_idx %arg5[%add3A_160] : memref<59552xi32, #tpu.memory_space<vmem>>[vector<16xi32>], vector<16xi32>,
        %add3A_161 = arith.constant 3722 : i32
        %add3A_162 = vector.broadcast %add3A_161 : i32 to vector<16xi32>
        %add3A_163 = arith.addi %scan3A_130, %add3A_162 : vector<16xi32>
        %gather3A_164 = tpu.vector_load_idx %arg5[%add3A_163] : memref<59552xi32, #tpu.memory_space<vmem>>[vector<16xi32>], vector<16xi32>,
        %add3A_165 = arith.constant 7444 : i32
        %add3A_166 = vector.broadcast %add3A_165 : i32 to vector<16xi32>
        %add3A_167 = arith.addi %scan3A_130, %add3A_166 : vector<16xi32>
        %gather3A_168 = tpu.vector_load_idx %arg5[%add3A_167] : memref<59552xi32, #tpu.memory_space<vmem>>[vector<16xi32>], vector<16xi32>,
        %add3A_169 = arith.constant 11166 : i32
        %add3A_170 = vector.broadcast %add3A_169 : i32 to vector<16xi32>
        %add3A_171 = arith.addi %scan3A_130, %add3A_170 : vector<16xi32>
        %gather3A_172 = tpu.vector_load_idx %arg5[%add3A_171] : memref<59552xi32, #tpu.memory_space<vmem>>[vector<16xi32>], vector<16xi32>,
        %add3A_173 = arith.constant 14888 : i32
        %add3A_174 = vector.broadcast %add3A_173 : i32 to vector<16xi32>
        %add3A_175 = arith.addi %scan3A_130, %add3A_174 : vector<16xi32>
        %gather3A_176 = tpu.vector_load_idx %arg5[%add3A_175] : memref<59552xi32, #tpu.memory_space<vmem>>[vector<16xi32>], vector<16xi32>,
        %add3A_177 = arith.constant 18610 : i32
        %add3A_178 = vector.broadcast %add3A_177 : i32 to vector<16xi32>
        %add3A_179 = arith.addi %scan3A_130, %add3A_178 : vector<16xi32>
        %gather3A_180 = tpu.vector_load_idx %arg5[%add3A_179] : memref<59552xi32, #tpu.memory_space<vmem>>[vector<16xi32>], vector<16xi32>,
        %add3A_181 = arith.constant 22332 : i32
        %add3A_182 = vector.broadcast %add3A_181 : i32 to vector<16xi32>
        %add3A_183 = arith.addi %scan3A_130, %add3A_182 : vector<16xi32>
        %gather3A_184 = tpu.vector_load_idx %arg5[%add3A_183] : memref<59552xi32, #tpu.memory_space<vmem>>[vector<16xi32>], vector<16xi32>,
        %add3A_185 = arith.constant 26054 : i32
        %add3A_186 = vector.broadcast %add3A_185 : i32 to vector<16xi32>
        %add3A_187 = arith.addi %scan3A_130, %add3A_186 : vector<16xi32>
        %gather3A_188 = tpu.vector_load_idx %arg5[%add3A_187] : memref<59552xi32, #tpu.memory_space<vmem>>[vector<16xi32>], vector<16xi32>,
        %add3A_189 = arith.constant 29776 : i32
        %add3A_190 = vector.broadcast %add3A_189 : i32 to vector<16xi32>
        %add3A_191 = arith.addi %scan3A_130, %add3A_190 : vector<16xi32>
        %gather3A_192 = tpu.vector_load_idx %arg5[%add3A_191] : memref<59552xi32, #tpu.memory_space<vmem>>[vector<16xi32>], vector<16xi32>,
        %add3A_193 = arith.constant 33498 : i32
        %add3A_194 = vector.broadcast %add3A_193 : i32 to vector<16xi32>
        %add3A_195 = arith.addi %scan3A_130, %add3A_194 : vector<16xi32>
        %gather3A_196 = tpu.vector_load_idx %arg5[%add3A_195] : memref<59552xi32, #tpu.memory_space<vmem>>[vector<16xi32>], vector<16xi32>,
        %add3A_197 = arith.constant 37220 : i32
        %add3A_198 = vector.broadcast %add3A_197 : i32 to vector<16xi32>
        %add3A_199 = arith.addi %scan3A_130, %add3A_198 : vector<16xi32>
        %gather3A_200 = tpu.vector_load_idx %arg5[%add3A_199] : memref<59552xi32, #tpu.memory_space<vmem>>[vector<16xi32>], vector<16xi32>,
        %add3A_201 = arith.constant 40942 : i32
        %add3A_202 = vector.broadcast %add3A_201 : i32 to vector<16xi32>
        %add3A_203 = arith.addi %scan3A_130, %add3A_202 : vector<16xi32>
        %gather3A_204 = tpu.vector_load_idx %arg5[%add3A_203] : memref<59552xi32, #tpu.memory_space<vmem>>[vector<16xi32>], vector<16xi32>,
        %add3A_205 = arith.constant 44664 : i32
        %add3A_206 = vector.broadcast %add3A_205 : i32 to vector<16xi32>
        %add3A_207 = arith.addi %scan3A_130, %add3A_206 : vector<16xi32>
        %gather3A_208 = tpu.vector_load_idx %arg5[%add3A_207] : memref<59552xi32, #tpu.memory_space<vmem>>[vector<16xi32>], vector<16xi32>,
        %add3A_209 = arith.constant 48386 : i32
        %add3A_210 = vector.broadcast %add3A_209 : i32 to vector<16xi32>
        %add3A_211 = arith.addi %scan3A_130, %add3A_210 : vector<16xi32>
        %gather3A_212 = tpu.vector_load_idx %arg5[%add3A_211] : memref<59552xi32, #tpu.memory_space<vmem>>[vector<16xi32>], vector<16xi32>,
        %add3A_213 = arith.constant 52108 : i32
        %add3A_214 = vector.broadcast %add3A_213 : i32 to vector<16xi32>
        %add3A_215 = arith.addi %scan3A_130, %add3A_214 : vector<16xi32>
        %gather3A_216 = tpu.vector_load_idx %arg5[%add3A_215] : memref<59552xi32, #tpu.memory_space<vmem>>[vector<16xi32>], vector<16xi32>,
        %add3A_217 = arith.constant 55830 : i32
        %add3A_218 = vector.broadcast %add3A_217 : i32 to vector<16xi32>
        %add3A_219 = arith.addi %scan3A_130, %add3A_218 : vector<16xi32>
        %gather3A_220 = tpu.vector_load_idx %arg5[%add3A_219] : memref<59552xi32, #tpu.memory_space<vmem>>[vector<16xi32>], vector<16xi32>,
        %bitcast3A = vector.bitcast %gather3A : vector<16xi32> to vector<16xf32>
        %shift_left3A = arith.constant 16 : i32
        %shift_left3A_221 = vector.broadcast %shift_left3A : i32 to vector<16xi32>
        %shift_left3A_222 = arith.shli %gather3A, %shift_left3A_221 : vector<16xi32>
        %bitcast3A_223 = vector.bitcast %shift_left3A_222 : vector<16xi32> to vector<16xf32>
        %mul3A_224 = arith.mulf %scan3A_131, %bitcast3A : vector<16xf32>
        %mul3A_225 = arith.mulf %scan3A_132, %bitcast3A_223 : vector<16xf32>
        %add3A_226 = arith.addf %mul3A_224, %mul3A_225 : vector<16xf32>
        %swap3A = arith.constant 0 : i32
        %swap3A_227 = arith.constant 0 : i32
        %swap3A_228 = arith.index_cast %while3A_70 : i32 to index
        %swap3A_229 = arith.index_cast %swap3A : i32 to index
        %swap3A_230 = arith.index_cast %swap3A_227 : i32 to index
        %swap3A_231 = arith.index_cast %min3A_136 : i32 to index
        %swap3A_232 = tpu.vector_load %arg7[%swap3A_228, %swap3A_229, %swap3A_230, %swap3A_231] {strides = array<i32>} : memref<3x16x1x1235xf32, #tpu.memory_space<vmem>>, vector<16xf32>,
        tpu.vector_store %arg7[%swap3A_228, %swap3A_229, %swap3A_230, %swap3A_231], %add3A_226 {strides = array<i32>} : memref<3x16x1x1235xf32, #tpu.memory_space<vmem>>, vector<16xf32>,
        %bitcast3A_233 = vector.bitcast %gather3A_164 : vector<16xi32> to vector<16xf32>
        %shift_left3A_234 = arith.constant 16 : i32
        %shift_left3A_235 = vector.broadcast %shift_left3A_234 : i32 to vector<16xi32>
        %shift_left3A_236 = arith.shli %gather3A_164, %shift_left3A_235 : vector<16xi32>
        %bitcast3A_237 = vector.bitcast %shift_left3A_236 : vector<16xi32> to vector<16xf32>
        %mul3A_238 = arith.mulf %scan3A_131, %bitcast3A_233 : vector<16xf32>
        %mul3A_239 = arith.mulf %scan3A_132, %bitcast3A_237 : vector<16xf32>
        %add3A_240 = arith.addf %mul3A_238, %mul3A_239 : vector<16xf32>
        %swap3A_241 = arith.constant 1 : i32
        %swap3A_242 = arith.constant 0 : i32
        %swap3A_243 = arith.index_cast %while3A_70 : i32 to index
        %swap3A_244 = arith.index_cast %swap3A_241 : i32 to index
        %swap3A_245 = arith.index_cast %swap3A_242 : i32 to index
        %swap3A_246 = arith.index_cast %min3A_136 : i32 to index
        %swap3A_247 = tpu.vector_load %arg7[%swap3A_243, %swap3A_244, %swap3A_245, %swap3A_246] {strides = array<i32>} : memref<3x16x1x1235xf32, #tpu.memory_space<vmem>>, vector<16xf32>,
        tpu.vector_store %arg7[%swap3A_243, %swap3A_244, %swap3A_245, %swap3A_246], %add3A_240 {strides = array<i32>} : memref<3x16x1x1235xf32, #tpu.memory_space<vmem>>, vector<16xf32>,
        %bitcast3A_248 = vector.bitcast %gather3A_168 : vector<16xi32> to vector<16xf32>
        %shift_left3A_249 = arith.constant 16 : i32
        %shift_left3A_250 = vector.broadcast %shift_left3A_249 : i32 to vector<16xi32>
        %shift_left3A_251 = arith.shli %gather3A_168, %shift_left3A_250 : vector<16xi32>
        %bitcast3A_252 = vector.bitcast %shift_left3A_251 : vector<16xi32> to vector<16xf32>
        %mul3A_253 = arith.mulf %scan3A_131, %bitcast3A_248 : vector<16xf32>
        %mul3A_254 = arith.mulf %scan3A_132, %bitcast3A_252 : vector<16xf32>
        %add3A_255 = arith.addf %mul3A_253, %mul3A_254 : vector<16xf32>
        %swap3A_256 = arith.constant 2 : i32
        %swap3A_257 = arith.constant 0 : i32
        %swap3A_258 = arith.index_cast %while3A_70 : i32 to index
        %swap3A_259 = arith.index_cast %swap3A_256 : i32 to index
        %swap3A_260 = arith.index_cast %swap3A_257 : i32 to index
        %swap3A_261 = arith.index_cast %min3A_136 : i32 to index
        %swap3A_262 = tpu.vector_load %arg7[%swap3A_258, %swap3A_259, %swap3A_260, %swap3A_261] {strides = array<i32>} : memref<3x16x1x1235xf32, #tpu.memory_space<vmem>>, vector<16xf32>,
        tpu.vector_store %arg7[%swap3A_258, %swap3A_259, %swap3A_260, %swap3A_261], %add3A_255 {strides = array<i32>} : memref<3x16x1x1235xf32, #tpu.memory_space<vmem>>, vector<16xf32>,
        %bitcast3A_263 = vector.bitcast %gather3A_172 : vector<16xi32> to vector<16xf32>
        %shift_left3A_264 = arith.constant 16 : i32
        %shift_left3A_265 = vector.broadcast %shift_left3A_264 : i32 to vector<16xi32>
        %shift_left3A_266 = arith.shli %gather3A_172, %shift_left3A_265 : vector<16xi32>
        %bitcast3A_267 = vector.bitcast %shift_left3A_266 : vector<16xi32> to vector<16xf32>
        %mul3A_268 = arith.mulf %scan3A_131, %bitcast3A_263 : vector<16xf32>
        %mul3A_269 = arith.mulf %scan3A_132, %bitcast3A_267 : vector<16xf32>
        %add3A_270 = arith.addf %mul3A_268, %mul3A_269 : vector<16xf32>
        %swap3A_271 = arith.constant 3 : i32
        %swap3A_272 = arith.constant 0 : i32
        %swap3A_273 = arith.index_cast %while3A_70 : i32 to index
        %swap3A_274 = arith.index_cast %swap3A_271 : i32 to index
        %swap3A_275 = arith.index_cast %swap3A_272 : i32 to index
        %swap3A_276 = arith.index_cast %min3A_136 : i32 to index
        %swap3A_277 = tpu.vector_load %arg7[%swap3A_273, %swap3A_274, %swap3A_275, %swap3A_276] {strides = array<i32>} : memref<3x16x1x1235xf32, #tpu.memory_space<vmem>>, vector<16xf32>,
        tpu.vector_store %arg7[%swap3A_273, %swap3A_274, %swap3A_275, %swap3A_276], %add3A_270 {strides = array<i32>} : memref<3x16x1x1235xf32, #tpu.memory_space<vmem>>, vector<16xf32>,
        %bitcast3A_278 = vector.bitcast %gather3A_176 : vector<16xi32> to vector<16xf32>
        %shift_left3A_279 = arith.constant 16 : i32
        %shift_left3A_280 = vector.broadcast %shift_left3A_279 : i32 to vector<16xi32>
        %shift_left3A_281 = arith.shli %gather3A_176, %shift_left3A_280 : vector<16xi32>
        %bitcast3A_282 = vector.bitcast %shift_left3A_281 : vector<16xi32> to vector<16xf32>
        %mul3A_283 = arith.mulf %scan3A_131, %bitcast3A_278 : vector<16xf32>
        %mul3A_284 = arith.mulf %scan3A_132, %bitcast3A_282 : vector<16xf32>
        %add3A_285 = arith.addf %mul3A_283, %mul3A_284 : vector<16xf32>
        %swap3A_286 = arith.constant 4 : i32
        %swap3A_287 = arith.constant 0 : i32
        %swap3A_288 = arith.index_cast %while3A_70 : i32 to index
        %swap3A_289 = arith.index_cast %swap3A_286 : i32 to index
        %swap3A_290 = arith.index_cast %swap3A_287 : i32 to index
        %swap3A_291 = arith.index_cast %min3A_136 : i32 to index
        %swap3A_292 = tpu.vector_load %arg7[%swap3A_288, %swap3A_289, %swap3A_290, %swap3A_291] {strides = array<i32>} : memref<3x16x1x1235xf32, #tpu.memory_space<vmem>>, vector<16xf32>,
        tpu.vector_store %arg7[%swap3A_288, %swap3A_289, %swap3A_290, %swap3A_291], %add3A_285 {strides = array<i32>} : memref<3x16x1x1235xf32, #tpu.memory_space<vmem>>, vector<16xf32>,
        %bitcast3A_293 = vector.bitcast %gather3A_180 : vector<16xi32> to vector<16xf32>
        %shift_left3A_294 = arith.constant 16 : i32
        %shift_left3A_295 = vector.broadcast %shift_left3A_294 : i32 to vector<16xi32>
        %shift_left3A_296 = arith.shli %gather3A_180, %shift_left3A_295 : vector<16xi32>
        %bitcast3A_297 = vector.bitcast %shift_left3A_296 : vector<16xi32> to vector<16xf32>
        %mul3A_298 = arith.mulf %scan3A_131, %bitcast3A_293 : vector<16xf32>
        %mul3A_299 = arith.mulf %scan3A_132, %bitcast3A_297 : vector<16xf32>
        %add3A_300 = arith.addf %mul3A_298, %mul3A_299 : vector<16xf32>
        %swap3A_301 = arith.constant 5 : i32
        %swap3A_302 = arith.constant 0 : i32
        %swap3A_303 = arith.index_cast %while3A_70 : i32 to index
        %swap3A_304 = arith.index_cast %swap3A_301 : i32 to index
        %swap3A_305 = arith.index_cast %swap3A_302 : i32 to index
        %swap3A_306 = arith.index_cast %min3A_136 : i32 to index
        %swap3A_307 = tpu.vector_load %arg7[%swap3A_303, %swap3A_304, %swap3A_305, %swap3A_306] {strides = array<i32>} : memref<3x16x1x1235xf32, #tpu.memory_space<vmem>>, vector<16xf32>,
        tpu.vector_store %arg7[%swap3A_303, %swap3A_304, %swap3A_305, %swap3A_306], %add3A_300 {strides = array<i32>} : memref<3x16x1x1235xf32, #tpu.memory_space<vmem>>, vector<16xf32>,
        %bitcast3A_308 = vector.bitcast %gather3A_184 : vector<16xi32> to vector<16xf32>
        %shift_left3A_309 = arith.constant 16 : i32
        %shift_left3A_310 = vector.broadcast %shift_left3A_309 : i32 to vector<16xi32>
        %shift_left3A_311 = arith.shli %gather3A_184, %shift_left3A_310 : vector<16xi32>
        %bitcast3A_312 = vector.bitcast %shift_left3A_311 : vector<16xi32> to vector<16xf32>
        %mul3A_313 = arith.mulf %scan3A_131, %bitcast3A_308 : vector<16xf32>
        %mul3A_314 = arith.mulf %scan3A_132, %bitcast3A_312 : vector<16xf32>
        %add3A_315 = arith.addf %mul3A_313, %mul3A_314 : vector<16xf32>
        %swap3A_316 = arith.constant 6 : i32
        %swap3A_317 = arith.constant 0 : i32
        %swap3A_318 = arith.index_cast %while3A_70 : i32 to index
        %swap3A_319 = arith.index_cast %swap3A_316 : i32 to index
        %swap3A_320 = arith.index_cast %swap3A_317 : i32 to index
        %swap3A_321 = arith.index_cast %min3A_136 : i32 to index
        %swap3A_322 = tpu.vector_load %arg7[%swap3A_318, %swap3A_319, %swap3A_320, %swap3A_321] {strides = array<i32>} : memref<3x16x1x1235xf32, #tpu.memory_space<vmem>>, vector<16xf32>,
        tpu.vector_store %arg7[%swap3A_318, %swap3A_319, %swap3A_320, %swap3A_321], %add3A_315 {strides = array<i32>} : memref<3x16x1x1235xf32, #tpu.memory_space<vmem>>, vector<16xf32>,
        %bitcast3A_323 = vector.bitcast %gather3A_188 : vector<16xi32> to vector<16xf32>
        %shift_left3A_324 = arith.constant 16 : i32
        %shift_left3A_325 = vector.broadcast %shift_left3A_324 : i32 to vector<16xi32>
        %shift_left3A_326 = arith.shli %gather3A_188, %shift_left3A_325 : vector<16xi32>
        %bitcast3A_327 = vector.bitcast %shift_left3A_326 : vector<16xi32> to vector<16xf32>
        %mul3A_328 = arith.mulf %scan3A_131, %bitcast3A_323 : vector<16xf32>
        %mul3A_329 = arith.mulf %scan3A_132, %bitcast3A_327 : vector<16xf32>
        %add3A_330 = arith.addf %mul3A_328, %mul3A_329 : vector<16xf32>
        %swap3A_331 = arith.constant 7 : i32
        %swap3A_332 = arith.constant 0 : i32
        %swap3A_333 = arith.index_cast %while3A_70 : i32 to index
        %swap3A_334 = arith.index_cast %swap3A_331 : i32 to index
        %swap3A_335 = arith.index_cast %swap3A_332 : i32 to index
        %swap3A_336 = arith.index_cast %min3A_136 : i32 to index
        %swap3A_337 = tpu.vector_load %arg7[%swap3A_333, %swap3A_334, %swap3A_335, %swap3A_336] {strides = array<i32>} : memref<3x16x1x1235xf32, #tpu.memory_space<vmem>>, vector<16xf32>,
        tpu.vector_store %arg7[%swap3A_333, %swap3A_334, %swap3A_335, %swap3A_336], %add3A_330 {strides = array<i32>} : memref<3x16x1x1235xf32, #tpu.memory_space<vmem>>, vector<16xf32>,
        %bitcast3A_338 = vector.bitcast %gather3A_192 : vector<16xi32> to vector<16xf32>
        %shift_left3A_339 = arith.constant 16 : i32
        %shift_left3A_340 = vector.broadcast %shift_left3A_339 : i32 to vector<16xi32>
        %shift_left3A_341 = arith.shli %gather3A_192, %shift_left3A_340 : vector<16xi32>
        %bitcast3A_342 = vector.bitcast %shift_left3A_341 : vector<16xi32> to vector<16xf32>
        %mul3A_343 = arith.mulf %scan3A_131, %bitcast3A_338 : vector<16xf32>
        %mul3A_344 = arith.mulf %scan3A_132, %bitcast3A_342 : vector<16xf32>
        %add3A_345 = arith.addf %mul3A_343, %mul3A_344 : vector<16xf32>
        %swap3A_346 = arith.constant 8 : i32
        %swap3A_347 = arith.constant 0 : i32
        %swap3A_348 = arith.index_cast %while3A_70 : i32 to index
        %swap3A_349 = arith.index_cast %swap3A_346 : i32 to index
        %swap3A_350 = arith.index_cast %swap3A_347 : i32 to index
        %swap3A_351 = arith.index_cast %min3A_136 : i32 to index
        %swap3A_352 = tpu.vector_load %arg7[%swap3A_348, %swap3A_349, %swap3A_350, %swap3A_351] {strides = array<i32>} : memref<3x16x1x1235xf32, #tpu.memory_space<vmem>>, vector<16xf32>,
        tpu.vector_store %arg7[%swap3A_348, %swap3A_349, %swap3A_350, %swap3A_351], %add3A_345 {strides = array<i32>} : memref<3x16x1x1235xf32, #tpu.memory_space<vmem>>, vector<16xf32>,
        %bitcast3A_353 = vector.bitcast %gather3A_196 : vector<16xi32> to vector<16xf32>
        %shift_left3A_354 = arith.constant 16 : i32
        %shift_left3A_355 = vector.broadcast %shift_left3A_354 : i32 to vector<16xi32>
        %shift_left3A_356 = arith.shli %gather3A_196, %shift_left3A_355 : vector<16xi32>
        %bitcast3A_357 = vector.bitcast %shift_left3A_356 : vector<16xi32> to vector<16xf32>
        %mul3A_358 = arith.mulf %scan3A_131, %bitcast3A_353 : vector<16xf32>
        %mul3A_359 = arith.mulf %scan3A_132, %bitcast3A_357 : vector<16xf32>
        %add3A_360 = arith.addf %mul3A_358, %mul3A_359 : vector<16xf32>
        %swap3A_361 = arith.constant 9 : i32
        %swap3A_362 = arith.constant 0 : i32
        %swap3A_363 = arith.index_cast %while3A_70 : i32 to index
        %swap3A_364 = arith.index_cast %swap3A_361 : i32 to index
        %swap3A_365 = arith.index_cast %swap3A_362 : i32 to index
        %swap3A_366 = arith.index_cast %min3A_136 : i32 to index
        %swap3A_367 = tpu.vector_load %arg7[%swap3A_363, %swap3A_364, %swap3A_365, %swap3A_366] {strides = array<i32>} : memref<3x16x1x1235xf32, #tpu.memory_space<vmem>>, vector<16xf32>,
        tpu.vector_store %arg7[%swap3A_363, %swap3A_364, %swap3A_365, %swap3A_366], %add3A_360 {strides = array<i32>} : memref<3x16x1x1235xf32, #tpu.memory_space<vmem>>, vector<16xf32>,
        %bitcast3A_368 = vector.bitcast %gather3A_200 : vector<16xi32> to vector<16xf32>
        %shift_left3A_369 = arith.constant 16 : i32
        %shift_left3A_370 = vector.broadcast %shift_left3A_369 : i32 to vector<16xi32>
        %shift_left3A_371 = arith.shli %gather3A_200, %shift_left3A_370 : vector<16xi32>
        %bitcast3A_372 = vector.bitcast %shift_left3A_371 : vector<16xi32> to vector<16xf32>
        %mul3A_373 = arith.mulf %scan3A_131, %bitcast3A_368 : vector<16xf32>
        %mul3A_374 = arith.mulf %scan3A_132, %bitcast3A_372 : vector<16xf32>
        %add3A_375 = arith.addf %mul3A_373, %mul3A_374 : vector<16xf32>
        %swap3A_376 = arith.constant 10 : i32
        %swap3A_377 = arith.constant 0 : i32
        %swap3A_378 = arith.index_cast %while3A_70 : i32 to index
        %swap3A_379 = arith.index_cast %swap3A_376 : i32 to index
        %swap3A_380 = arith.index_cast %swap3A_377 : i32 to index
        %swap3A_381 = arith.index_cast %min3A_136 : i32 to index
        %swap3A_382 = tpu.vector_load %arg7[%swap3A_378, %swap3A_379, %swap3A_380, %swap3A_381] {strides = array<i32>} : memref<3x16x1x1235xf32, #tpu.memory_space<vmem>>, vector<16xf32>,
        tpu.vector_store %arg7[%swap3A_378, %swap3A_379, %swap3A_380, %swap3A_381], %add3A_375 {strides = array<i32>} : memref<3x16x1x1235xf32, #tpu.memory_space<vmem>>, vector<16xf32>,
        %bitcast3A_383 = vector.bitcast %gather3A_204 : vector<16xi32> to vector<16xf32>
        %shift_left3A_384 = arith.constant 16 : i32
        %shift_left3A_385 = vector.broadcast %shift_left3A_384 : i32 to vector<16xi32>
        %shift_left3A_386 = arith.shli %gather3A_204, %shift_left3A_385 : vector<16xi32>
        %bitcast3A_387 = vector.bitcast %shift_left3A_386 : vector<16xi32> to vector<16xf32>
        %mul3A_388 = arith.mulf %scan3A_131, %bitcast3A_383 : vector<16xf32>
        %mul3A_389 = arith.mulf %scan3A_132, %bitcast3A_387 : vector<16xf32>
        %add3A_390 = arith.addf %mul3A_388, %mul3A_389 : vector<16xf32>
        %swap3A_391 = arith.constant 11 : i32
        %swap3A_392 = arith.constant 0 : i32
        %swap3A_393 = arith.index_cast %while3A_70 : i32 to index
        %swap3A_394 = arith.index_cast %swap3A_391 : i32 to index
        %swap3A_395 = arith.index_cast %swap3A_392 : i32 to index
        %swap3A_396 = arith.index_cast %min3A_136 : i32 to index
        %swap3A_397 = tpu.vector_load %arg7[%swap3A_393, %swap3A_394, %swap3A_395, %swap3A_396] {strides = array<i32>} : memref<3x16x1x1235xf32, #tpu.memory_space<vmem>>, vector<16xf32>,
        tpu.vector_store %arg7[%swap3A_393, %swap3A_394, %swap3A_395, %swap3A_396], %add3A_390 {strides = array<i32>} : memref<3x16x1x1235xf32, #tpu.memory_space<vmem>>, vector<16xf32>,
        %bitcast3A_398 = vector.bitcast %gather3A_208 : vector<16xi32> to vector<16xf32>
        %shift_left3A_399 = arith.constant 16 : i32
        %shift_left3A_400 = vector.broadcast %shift_left3A_399 : i32 to vector<16xi32>
        %shift_left3A_401 = arith.shli %gather3A_208, %shift_left3A_400 : vector<16xi32>
        %bitcast3A_402 = vector.bitcast %shift_left3A_401 : vector<16xi32> to vector<16xf32>
        %mul3A_403 = arith.mulf %scan3A_131, %bitcast3A_398 : vector<16xf32>
        %mul3A_404 = arith.mulf %scan3A_132, %bitcast3A_402 : vector<16xf32>
        %add3A_405 = arith.addf %mul3A_403, %mul3A_404 : vector<16xf32>
        %swap3A_406 = arith.constant 12 : i32
        %swap3A_407 = arith.constant 0 : i32
        %swap3A_408 = arith.index_cast %while3A_70 : i32 to index
        %swap3A_409 = arith.index_cast %swap3A_406 : i32 to index
        %swap3A_410 = arith.index_cast %swap3A_407 : i32 to index
        %swap3A_411 = arith.index_cast %min3A_136 : i32 to index
        %swap3A_412 = tpu.vector_load %arg7[%swap3A_408, %swap3A_409, %swap3A_410, %swap3A_411] {strides = array<i32>} : memref<3x16x1x1235xf32, #tpu.memory_space<vmem>>, vector<16xf32>,
        tpu.vector_store %arg7[%swap3A_408, %swap3A_409, %swap3A_410, %swap3A_411], %add3A_405 {strides = array<i32>} : memref<3x16x1x1235xf32, #tpu.memory_space<vmem>>, vector<16xf32>,
        %bitcast3A_413 = vector.bitcast %gather3A_212 : vector<16xi32> to vector<16xf32>
        %shift_left3A_414 = arith.constant 16 : i32
        %shift_left3A_415 = vector.broadcast %shift_left3A_414 : i32 to vector<16xi32>
        %shift_left3A_416 = arith.shli %gather3A_212, %shift_left3A_415 : vector<16xi32>
        %bitcast3A_417 = vector.bitcast %shift_left3A_416 : vector<16xi32> to vector<16xf32>
        %mul3A_418 = arith.mulf %scan3A_131, %bitcast3A_413 : vector<16xf32>
        %mul3A_419 = arith.mulf %scan3A_132, %bitcast3A_417 : vector<16xf32>
        %add3A_420 = arith.addf %mul3A_418, %mul3A_419 : vector<16xf32>
        %swap3A_421 = arith.constant 13 : i32
        %swap3A_422 = arith.constant 0 : i32
        %swap3A_423 = arith.index_cast %while3A_70 : i32 to index
        %swap3A_424 = arith.index_cast %swap3A_421 : i32 to index
        %swap3A_425 = arith.index_cast %swap3A_422 : i32 to index
        %swap3A_426 = arith.index_cast %min3A_136 : i32 to index
        %swap3A_427 = tpu.vector_load %arg7[%swap3A_423, %swap3A_424, %swap3A_425, %swap3A_426] {strides = array<i32>} : memref<3x16x1x1235xf32, #tpu.memory_space<vmem>>, vector<16xf32>,
        tpu.vector_store %arg7[%swap3A_423, %swap3A_424, %swap3A_425, %swap3A_426], %add3A_420 {strides = array<i32>} : memref<3x16x1x1235xf32, #tpu.memory_space<vmem>>, vector<16xf32>,
        %bitcast3A_428 = vector.bitcast %gather3A_216 : vector<16xi32> to vector<16xf32>
        %shift_left3A_429 = arith.constant 16 : i32
        %shift_left3A_430 = vector.broadcast %shift_left3A_429 : i32 to vector<16xi32>
        %shift_left3A_431 = arith.shli %gather3A_216, %shift_left3A_430 : vector<16xi32>
        %bitcast3A_432 = vector.bitcast %shift_left3A_431 : vector<16xi32> to vector<16xf32>
        %mul3A_433 = arith.mulf %scan3A_131, %bitcast3A_428 : vector<16xf32>
        %mul3A_434 = arith.mulf %scan3A_132, %bitcast3A_432 : vector<16xf32>
        %add3A_435 = arith.addf %mul3A_433, %mul3A_434 : vector<16xf32>
        %swap3A_436 = arith.constant 14 : i32
        %swap3A_437 = arith.constant 0 : i32
        %swap3A_438 = arith.index_cast %while3A_70 : i32 to index
        %swap3A_439 = arith.index_cast %swap3A_436 : i32 to index
        %swap3A_440 = arith.index_cast %swap3A_437 : i32 to index
        %swap3A_441 = arith.index_cast %min3A_136 : i32 to index
        %swap3A_442 = tpu.vector_load %arg7[%swap3A_438, %swap3A_439, %swap3A_440, %swap3A_441] {strides = array<i32>} : memref<3x16x1x1235xf32, #tpu.memory_space<vmem>>, vector<16xf32>,
        tpu.vector_store %arg7[%swap3A_438, %swap3A_439, %swap3A_440, %swap3A_441], %add3A_435 {strides = array<i32>} : memref<3x16x1x1235xf32, #tpu.memory_space<vmem>>, vector<16xf32>,
        %bitcast3A_443 = vector.bitcast %gather3A_220 : vector<16xi32> to vector<16xf32>
        %shift_left3A_444 = arith.constant 16 : i32
        %shift_left3A_445 = vector.broadcast %shift_left3A_444 : i32 to vector<16xi32>
        %shift_left3A_446 = arith.shli %gather3A_220, %shift_left3A_445 : vector<16xi32>
        %bitcast3A_447 = vector.bitcast %shift_left3A_446 : vector<16xi32> to vector<16xf32>
        %mul3A_448 = arith.mulf %scan3A_131, %bitcast3A_443 : vector<16xf32>
        %mul3A_449 = arith.mulf %scan3A_132, %bitcast3A_447 : vector<16xf32>
        %add3A_450 = arith.addf %mul3A_448, %mul3A_449 : vector<16xf32>
        %swap3A_451 = arith.constant 15 : i32
        %swap3A_452 = arith.constant 0 : i32
        %swap3A_453 = arith.index_cast %while3A_70 : i32 to index
        %swap3A_454 = arith.index_cast %swap3A_451 : i32 to index
        %swap3A_455 = arith.index_cast %swap3A_452 : i32 to index
        %swap3A_456 = arith.index_cast %min3A_136 : i32 to index
        %swap3A_457 = tpu.vector_load %arg7[%swap3A_453, %swap3A_454, %swap3A_455, %swap3A_456] {strides = array<i32>} : memref<3x16x1x1235xf32, #tpu.memory_space<vmem>>, vector<16xf32>,
        tpu.vector_store %arg7[%swap3A_453, %swap3A_454, %swap3A_455, %swap3A_456], %add3A_450 {strides = array<i32>} : memref<3x16x1x1235xf32, #tpu.memory_space<vmem>>, vector<16xf32>,
        scf.yield %convert_element_type3A_152, %sub3A_157, %sub3A_154 : vector<16xi32>, vector<16xf32>, vector<16xf32>
      }
      %scan3A_107 = arith.constant 78 : i32
      %dma_start3A = arith.constant 0 : i32
      %dma_start3A_108 = arith.constant 0 : i32
      %dma_start3A_109 = arith.constant 0 : i32
      %dma_start3A_110 = tpu.memref_slice %arg7[%while3A_70, %dma_start3A, %dma_start3A_108, %dma_start3A_109] : memref<3x16x1x1235xf32, #tpu.memory_space<vmem>> -> memref<1x16x1x1235xf32, #tpu.memory_space<vmem>>
      %dma_start3A_111 = tpu.memref_squeeze %dma_start3A_110 : memref<1x16x1x1235xf32, #tpu.memory_space<vmem>> -> memref<16x1x1235xf32, #tpu.memory_space<vmem>>
      %dma_start3A_112 = arith.constant 0 : i32
      %dma_start3A_113 = arith.constant 0 : i32
      %dma_start3A_114 = tpu.memref_slice %arg4[%dma_start3A_112, %add3A_71, %dma_start3A_113] : memref<16x1235x1235xf32, #tpu.memory_space<hbm>> -> memref<16x1x1235xf32, #tpu.memory_space<hbm>>
      %dma_start3A_115 = arith.constant 0 : i32
      %dma_start3A_116 = arith.constant 0 : i32
      %dma_start3A_117 = tpu.memref_slice %arg4[%dma_start3A_115, %add3A_71, %dma_start3A_116] : memref<16x1235x1235xf32, #tpu.memory_space<hbm>> -> memref<16x1x1235xf32, #tpu.memory_space<hbm>>
      %dma_start3A_118 = arith.constant 0 : i32
      %dma_start3A_119 = arith.constant 0 : i32
      %dma_start3A_120 = arith.constant 0 : i32
      %dma_start3A_121 = tpu.memref_slice %arg7[%while3A_70, %dma_start3A_118, %dma_start3A_119, %dma_start3A_120] : memref<3x16x1x1235xf32, #tpu.memory_space<vmem>> -> memref<1x16x1x1235xf32, #tpu.memory_space<vmem>>
      %dma_start3A_122 = tpu.memref_squeeze %dma_start3A_121 : memref<1x16x1x1235xf32, #tpu.memory_space<vmem>> -> memref<16x1x1235xf32, #tpu.memory_space<vmem>>
      tpu.enqueue_dma source(%dma_start3A_122 : memref<16x1x1235xf32, #tpu.memory_space<vmem>>) target(%dma_start3A_117 : memref<16x1x1235xf32, #tpu.memory_space<hbm>>) target_semaphore(%arg9 : memref<!tpu.dma_semaphore, #tpu.memory_space<semaphore_mem>>)
      %eq3A_123 = arith.constant 2 : i32
      %eq3A_124 = arith.cmpi eq, %while3A_70, %eq3A_123 : i32
      %add3A_125 = arith.constant 1 : i32
      %add3A_126 = arith.addi %while3A_70, %add3A_125 : i32
      %jit3A_127 = arith.constant 0 : i32
      %select_n3A_128 = arith.select %eq3A_124, %jit3A_127, %add3A_126 : i32
      scf.yield %select_n3A_128 : i32
    }
    %while3A_53 = arith.constant 1 : i32
    %while3A_54 = scf.for %while3A_69 = %while3A_50 to %while3A_46 step %while3A_53 iter_args(%while3A_70 = %while3A_52) -> (i32)  : i32 {
      %add3A_71 = arith.addi %add3A_40, %while3A_69 : i32
      %and3A = arith.constant 1 : i32
      %and3A_72 = arith.andi %while3A_69, %and3A : i32
      %add3A_73 = arith.constant 1 : i32
      %add3A_74 = arith.addi %while3A_69, %add3A_73 : i32
      %lt3A = arith.cmpi slt, %add3A_74, %sub3A_43 : i32
      %convert_element_type3A_75 = arith.extui %lt3A : i1 to i32
      %cond3A_76 = arith.constant 0 : i32
      %cond3A_77 = arith.cmpi ne, %convert_element_type3A_75, %cond3A_76 : i32
      scf.if %cond3A_77 {
        %add3A_129 = arith.constant 1 : i32
        %add3A_130 = arith.addi %add3A_71, %add3A_129 : i32
        %sub3A_131 = arith.constant 1 : i32
        %sub3A_132 = arith.subi %sub3A_131, %and3A_72 : i32
        %dma_start3A_133 = arith.constant 0 : i32
        %dma_start3A_134 = tpu.memref_slice %arg6[%sub3A_132, %dma_start3A_133] : memref<2x1248xf32, #tpu.memory_space<vmem>> -> memref<1x1248xf32, #tpu.memory_space<vmem>>
        %dma_start3A_135 = tpu.memref_squeeze %dma_start3A_134 : memref<1x1248xf32, #tpu.memory_space<vmem>> -> memref<1248xf32, #tpu.memory_space<vmem>>
        %dma_start3A_136 = arith.constant 0 : i32
        %dma_start3A_137 = tpu.memref_slice %arg3[%add3A_130, %dma_start3A_136] : memref<1235x1248xf32, #tpu.memory_space<hbm>> -> memref<1x1248xf32, #tpu.memory_space<hbm>>
        %dma_start3A_138 = tpu.memref_squeeze %dma_start3A_137 : memref<1x1248xf32, #tpu.memory_space<hbm>> -> memref<1248xf32, #tpu.memory_space<hbm>>
        %dma_start3A_139 = arith.constant 0 : i32
        %dma_start3A_140 = tpu.memref_slice %arg6[%sub3A_132, %dma_start3A_139] : memref<2x1248xf32, #tpu.memory_space<vmem>> -> memref<1x1248xf32, #tpu.memory_space<vmem>>
        %dma_start3A_141 = tpu.memref_squeeze %dma_start3A_140 : memref<1x1248xf32, #tpu.memory_space<vmem>> -> memref<1248xf32, #tpu.memory_space<vmem>>
        %dma_start3A_142 = arith.constant 0 : i32
        %dma_start3A_143 = tpu.memref_slice %arg3[%add3A_130, %dma_start3A_142] : memref<1235x1248xf32, #tpu.memory_space<hbm>> -> memref<1x1248xf32, #tpu.memory_space<hbm>>
        %dma_start3A_144 = tpu.memref_squeeze %dma_start3A_143 : memref<1x1248xf32, #tpu.memory_space<hbm>> -> memref<1248xf32, #tpu.memory_space<hbm>>
        tpu.enqueue_dma source(%dma_start3A_144 : memref<1248xf32, #tpu.memory_space<hbm>>) target(%dma_start3A_141 : memref<1248xf32, #tpu.memory_space<vmem>>) target_semaphore(%arg8 : memref<!tpu.dma_semaphore, #tpu.memory_space<semaphore_mem>>)
      } else {
      }
      %gt3A = arith.constant 0 : i32
      %gt3A_78 = arith.cmpi sgt, %while3A_69, %gt3A : i32
      %convert_element_type3A_79 = arith.extui %gt3A_78 : i1 to i32
      %cond3A_80 = arith.constant 0 : i32
      %cond3A_81 = arith.cmpi ne, %convert_element_type3A_79, %cond3A_80 : i32
      scf.if %cond3A_81 {
        %dma_wait3A = arith.constant 0 : i32
        %dma_wait3A_129 = tpu.memref_slice %arg6[%and3A_72, %dma_wait3A] : memref<2x1248xf32, #tpu.memory_space<vmem>> -> memref<1x1248xf32, #tpu.memory_space<vmem>>
        %dma_wait3A_130 = tpu.memref_squeeze %dma_wait3A_129 : memref<1x1248xf32, #tpu.memory_space<vmem>> -> memref<1248xf32, #tpu.memory_space<vmem>>
        %dma_wait3A_131 = arith.constant 0 : i32
        %dma_wait3A_132 = tpu.memref_slice %arg3[%add3A_71, %dma_wait3A_131] : memref<1235x1248xf32, #tpu.memory_space<hbm>> -> memref<1x1248xf32, #tpu.memory_space<hbm>>
        %dma_wait3A_133 = tpu.memref_squeeze %dma_wait3A_132 : memref<1x1248xf32, #tpu.memory_space<hbm>> -> memref<1248xf32, #tpu.memory_space<hbm>>
        %dma_wait3A_134 = arith.constant 0 : i32
        %dma_wait3A_135 = tpu.memref_slice %arg6[%and3A_72, %dma_wait3A_134] : memref<2x1248xf32, #tpu.memory_space<vmem>> -> memref<1x1248xf32, #tpu.memory_space<vmem>>
        %dma_wait3A_136 = tpu.memref_squeeze %dma_wait3A_135 : memref<1x1248xf32, #tpu.memory_space<vmem>> -> memref<1248xf32, #tpu.memory_space<vmem>>
        %dma_wait3A_137 = arith.constant 0 : i32
        %dma_wait3A_138 = tpu.memref_slice %arg3[%add3A_71, %dma_wait3A_137] : memref<1235x1248xf32, #tpu.memory_space<hbm>> -> memref<1x1248xf32, #tpu.memory_space<hbm>>
        %dma_wait3A_139 = tpu.memref_squeeze %dma_wait3A_138 : memref<1x1248xf32, #tpu.memory_space<hbm>> -> memref<1248xf32, #tpu.memory_space<hbm>>
        tpu.wait_dma2 semaphore(%arg8 : memref<!tpu.dma_semaphore, #tpu.memory_space<semaphore_mem>>) src(%dma_wait3A_139 : memref<1248xf32, #tpu.memory_space<hbm>>) dst(%dma_wait3A_136 : memref<1248xf32, #tpu.memory_space<vmem>>)
      } else {
      }
      %ge3A_82 = arith.constant 3 : i32
      %ge3A_83 = arith.cmpi sge, %while3A_69, %ge3A_82 : i32
      %convert_element_type3A_84 = arith.extui %ge3A_83 : i1 to i32
      %cond3A_85 = arith.constant 0 : i32
      %cond3A_86 = arith.cmpi ne, %convert_element_type3A_84, %cond3A_85 : i32
      scf.if %cond3A_86 {
        %sub3A_129 = arith.constant 3 : i32
        %sub3A_130 = arith.subi %add3A_71, %sub3A_129 : i32
        %dma_wait3A = arith.constant 0 : i32
        %dma_wait3A_131 = arith.constant 0 : i32
        %dma_wait3A_132 = arith.constant 0 : i32
        %dma_wait3A_133 = tpu.memref_slice %arg7[%while3A_70, %dma_wait3A, %dma_wait3A_131, %dma_wait3A_132] : memref<3x16x1x1235xf32, #tpu.memory_space<vmem>> -> memref<1x16x1x1235xf32, #tpu.memory_space<vmem>>
        %dma_wait3A_134 = tpu.memref_squeeze %dma_wait3A_133 : memref<1x16x1x1235xf32, #tpu.memory_space<vmem>> -> memref<16x1x1235xf32, #tpu.memory_space<vmem>>
        %dma_wait3A_135 = arith.constant 0 : i32
        %dma_wait3A_136 = arith.constant 0 : i32
        %dma_wait3A_137 = tpu.memref_slice %arg4[%dma_wait3A_135, %sub3A_130, %dma_wait3A_136] : memref<16x1235x1235xf32, #tpu.memory_space<hbm>> -> memref<16x1x1235xf32, #tpu.memory_space<hbm>>
        %dma_wait3A_138 = arith.constant 0 : i32
        %dma_wait3A_139 = arith.constant 0 : i32
        %dma_wait3A_140 = tpu.memref_slice %arg4[%dma_wait3A_138, %sub3A_130, %dma_wait3A_139] : memref<16x1235x1235xf32, #tpu.memory_space<hbm>> -> memref<16x1x1235xf32, #tpu.memory_space<hbm>>
        %dma_wait3A_141 = arith.constant 0 : i32
        %dma_wait3A_142 = arith.constant 0 : i32
        %dma_wait3A_143 = arith.constant 0 : i32
        %dma_wait3A_144 = tpu.memref_slice %arg7[%while3A_70, %dma_wait3A_141, %dma_wait3A_142, %dma_wait3A_143] : memref<3x16x1x1235xf32, #tpu.memory_space<vmem>> -> memref<1x16x1x1235xf32, #tpu.memory_space<vmem>>
        %dma_wait3A_145 = tpu.memref_squeeze %dma_wait3A_144 : memref<1x16x1x1235xf32, #tpu.memory_space<vmem>> -> memref<16x1x1235xf32, #tpu.memory_space<vmem>>
        tpu.wait_dma2 semaphore(%arg9 : memref<!tpu.dma_semaphore, #tpu.memory_space<semaphore_mem>>) src(%dma_wait3A_145 : memref<16x1x1235xf32, #tpu.memory_space<vmem>>) dst(%dma_wait3A_140 : memref<16x1x1235xf32, #tpu.memory_space<hbm>>)
      } else {
      }
      %min3A_87 = arith.constant 0 : i32
      %min3A_88 = arith.constant 1219 : i32
      %min3A_89 = arith.minsi %min3A_87, %min3A_88 : i32
      %get3A = arith.index_cast %and3A_72 : i32 to index
      %get3A_90 = arith.index_cast %min3A_89 : i32 to index
      %get3A_91 = tpu.vector_load %arg6[%get3A, %get3A_90] {strides = array<i32>} : memref<2x1248xf32, #tpu.memory_space<vmem>>, vector<16xf32>,
      %max3A = arith.constant 0.000000e+00 : f32
      %max3A_92 = vector.broadcast %max3A : f32 to vector<16xf32>
      %max3A_93 = arith.maximumf %get3A_91, %max3A_92 : vector<16xf32>
      %min3A_94 = arith.constant 3.720000e+03 : f32
      %min3A_95 = vector.broadcast %min3A_94 : f32 to vector<16xf32>
      %min3A_96 = arith.minimumf %max3A_93, %min3A_95 : vector<16xf32>
      %convert_element_type3A_97 = arith.fptosi %min3A_96 : vector<16xf32> to vector<16xi32>
      %convert_element_type3A_98 = arith.sitofp %convert_element_type3A_97 : vector<16xi32> to vector<16xf32>
      %sub3A_99 = arith.subf %min3A_96, %convert_element_type3A_98 : vector<16xf32>
      %sub3A_100 = arith.constant 1.000000e+00 : f32
      %sub3A_101 = vector.broadcast %sub3A_100 : f32 to vector<16xf32>
      %sub3A_102 = arith.subf %sub3A_101, %sub3A_99 : vector<16xf32>
      %scan3A = arith.constant 0 : i32
      %scan3A_103 = arith.constant 78 : i32
      %scan3A_104 = arith.addi %scan3A, %scan3A_103 : i32
      %scan3A_105 = arith.constant 1 : i32
      %scan3A_106:3 = scf.for %scan3A_129 = %scan3A to %scan3A_104 step %scan3A_105 iter_args(%scan3A_130 = %convert_element_type3A_97, %scan3A_131 = %sub3A_102, %scan3A_132 = %sub3A_99) -> (vector<16xi32>, vector<16xf32>, vector<16xf32>)  : i32 {
        %mul3A_133 = arith.constant 16 : i32
        %mul3A_134 = arith.muli %scan3A_129, %mul3A_133 : i32
        %min3A_135 = arith.constant 1219 : i32
        %min3A_136 = arith.minsi %mul3A_134, %min3A_135 : i32
        %add3A_137 = arith.constant 1 : i32
        %add3A_138 = arith.addi %scan3A_129, %add3A_137 : i32
        %mul3A_139 = arith.constant 16 : i32
        %mul3A_140 = arith.muli %add3A_138, %mul3A_139 : i32
        %min3A_141 = arith.constant 1219 : i32
        %min3A_142 = arith.minsi %mul3A_140, %min3A_141 : i32
        %get3A_143 = arith.index_cast %and3A_72 : i32 to index
        %get3A_144 = arith.index_cast %min3A_142 : i32 to index
        %get3A_145 = tpu.vector_load %arg6[%get3A_143, %get3A_144] {strides = array<i32>} : memref<2x1248xf32, #tpu.memory_space<vmem>>, vector<16xf32>,
        %max3A_146 = arith.constant 0.000000e+00 : f32
        %max3A_147 = vector.broadcast %max3A_146 : f32 to vector<16xf32>
        %max3A_148 = arith.maximumf %get3A_145, %max3A_147 : vector<16xf32>
        %min3A_149 = arith.constant 3.720000e+03 : f32
        %min3A_150 = vector.broadcast %min3A_149 : f32 to vector<16xf32>
        %min3A_151 = arith.minimumf %max3A_148, %min3A_150 : vector<16xf32>
        %convert_element_type3A_152 = arith.fptosi %min3A_151 : vector<16xf32> to vector<16xi32>
        %convert_element_type3A_153 = arith.sitofp %convert_element_type3A_152 : vector<16xi32> to vector<16xf32>
        %sub3A_154 = arith.subf %min3A_151, %convert_element_type3A_153 : vector<16xf32>
        %sub3A_155 = arith.constant 1.000000e+00 : f32
        %sub3A_156 = vector.broadcast %sub3A_155 : f32 to vector<16xf32>
        %sub3A_157 = arith.subf %sub3A_156, %sub3A_154 : vector<16xf32>
        %add3A_158 = arith.constant 0 : i32
        %add3A_159 = vector.broadcast %add3A_158 : i32 to vector<16xi32>
        %add3A_160 = arith.addi %scan3A_130, %add3A_159 : vector<16xi32>
        %gather3A = tpu.vector_load_idx %arg5[%add3A_160] : memref<59552xi32, #tpu.memory_space<vmem>>[vector<16xi32>], vector<16xi32>,
        %add3A_161 = arith.constant 3722 : i32
        %add3A_162 = vector.broadcast %add3A_161 : i32 to vector<16xi32>
        %add3A_163 = arith.addi %scan3A_130, %add3A_162 : vector<16xi32>
        %gather3A_164 = tpu.vector_load_idx %arg5[%add3A_163] : memref<59552xi32, #tpu.memory_space<vmem>>[vector<16xi32>], vector<16xi32>,
        %add3A_165 = arith.constant 7444 : i32
        %add3A_166 = vector.broadcast %add3A_165 : i32 to vector<16xi32>
        %add3A_167 = arith.addi %scan3A_130, %add3A_166 : vector<16xi32>
        %gather3A_168 = tpu.vector_load_idx %arg5[%add3A_167] : memref<59552xi32, #tpu.memory_space<vmem>>[vector<16xi32>], vector<16xi32>,
        %add3A_169 = arith.constant 11166 : i32
        %add3A_170 = vector.broadcast %add3A_169 : i32 to vector<16xi32>
        %add3A_171 = arith.addi %scan3A_130, %add3A_170 : vector<16xi32>
        %gather3A_172 = tpu.vector_load_idx %arg5[%add3A_171] : memref<59552xi32, #tpu.memory_space<vmem>>[vector<16xi32>], vector<16xi32>,
        %add3A_173 = arith.constant 14888 : i32
        %add3A_174 = vector.broadcast %add3A_173 : i32 to vector<16xi32>
        %add3A_175 = arith.addi %scan3A_130, %add3A_174 : vector<16xi32>
        %gather3A_176 = tpu.vector_load_idx %arg5[%add3A_175] : memref<59552xi32, #tpu.memory_space<vmem>>[vector<16xi32>], vector<16xi32>,
        %add3A_177 = arith.constant 18610 : i32
        %add3A_178 = vector.broadcast %add3A_177 : i32 to vector<16xi32>
        %add3A_179 = arith.addi %scan3A_130, %add3A_178 : vector<16xi32>
        %gather3A_180 = tpu.vector_load_idx %arg5[%add3A_179] : memref<59552xi32, #tpu.memory_space<vmem>>[vector<16xi32>], vector<16xi32>,
        %add3A_181 = arith.constant 22332 : i32
        %add3A_182 = vector.broadcast %add3A_181 : i32 to vector<16xi32>
        %add3A_183 = arith.addi %scan3A_130, %add3A_182 : vector<16xi32>
        %gather3A_184 = tpu.vector_load_idx %arg5[%add3A_183] : memref<59552xi32, #tpu.memory_space<vmem>>[vector<16xi32>], vector<16xi32>,
        %add3A_185 = arith.constant 26054 : i32
        %add3A_186 = vector.broadcast %add3A_185 : i32 to vector<16xi32>
        %add3A_187 = arith.addi %scan3A_130, %add3A_186 : vector<16xi32>
        %gather3A_188 = tpu.vector_load_idx %arg5[%add3A_187] : memref<59552xi32, #tpu.memory_space<vmem>>[vector<16xi32>], vector<16xi32>,
        %add3A_189 = arith.constant 29776 : i32
        %add3A_190 = vector.broadcast %add3A_189 : i32 to vector<16xi32>
        %add3A_191 = arith.addi %scan3A_130, %add3A_190 : vector<16xi32>
        %gather3A_192 = tpu.vector_load_idx %arg5[%add3A_191] : memref<59552xi32, #tpu.memory_space<vmem>>[vector<16xi32>], vector<16xi32>,
        %add3A_193 = arith.constant 33498 : i32
        %add3A_194 = vector.broadcast %add3A_193 : i32 to vector<16xi32>
        %add3A_195 = arith.addi %scan3A_130, %add3A_194 : vector<16xi32>
        %gather3A_196 = tpu.vector_load_idx %arg5[%add3A_195] : memref<59552xi32, #tpu.memory_space<vmem>>[vector<16xi32>], vector<16xi32>,
        %add3A_197 = arith.constant 37220 : i32
        %add3A_198 = vector.broadcast %add3A_197 : i32 to vector<16xi32>
        %add3A_199 = arith.addi %scan3A_130, %add3A_198 : vector<16xi32>
        %gather3A_200 = tpu.vector_load_idx %arg5[%add3A_199] : memref<59552xi32, #tpu.memory_space<vmem>>[vector<16xi32>], vector<16xi32>,
        %add3A_201 = arith.constant 40942 : i32
        %add3A_202 = vector.broadcast %add3A_201 : i32 to vector<16xi32>
        %add3A_203 = arith.addi %scan3A_130, %add3A_202 : vector<16xi32>
        %gather3A_204 = tpu.vector_load_idx %arg5[%add3A_203] : memref<59552xi32, #tpu.memory_space<vmem>>[vector<16xi32>], vector<16xi32>,
        %add3A_205 = arith.constant 44664 : i32
        %add3A_206 = vector.broadcast %add3A_205 : i32 to vector<16xi32>
        %add3A_207 = arith.addi %scan3A_130, %add3A_206 : vector<16xi32>
        %gather3A_208 = tpu.vector_load_idx %arg5[%add3A_207] : memref<59552xi32, #tpu.memory_space<vmem>>[vector<16xi32>], vector<16xi32>,
        %add3A_209 = arith.constant 48386 : i32
        %add3A_210 = vector.broadcast %add3A_209 : i32 to vector<16xi32>
        %add3A_211 = arith.addi %scan3A_130, %add3A_210 : vector<16xi32>
        %gather3A_212 = tpu.vector_load_idx %arg5[%add3A_211] : memref<59552xi32, #tpu.memory_space<vmem>>[vector<16xi32>], vector<16xi32>,
        %add3A_213 = arith.constant 52108 : i32
        %add3A_214 = vector.broadcast %add3A_213 : i32 to vector<16xi32>
        %add3A_215 = arith.addi %scan3A_130, %add3A_214 : vector<16xi32>
        %gather3A_216 = tpu.vector_load_idx %arg5[%add3A_215] : memref<59552xi32, #tpu.memory_space<vmem>>[vector<16xi32>], vector<16xi32>,
        %add3A_217 = arith.constant 55830 : i32
        %add3A_218 = vector.broadcast %add3A_217 : i32 to vector<16xi32>
        %add3A_219 = arith.addi %scan3A_130, %add3A_218 : vector<16xi32>
        %gather3A_220 = tpu.vector_load_idx %arg5[%add3A_219] : memref<59552xi32, #tpu.memory_space<vmem>>[vector<16xi32>], vector<16xi32>,
        %bitcast3A = vector.bitcast %gather3A : vector<16xi32> to vector<16xf32>
        %shift_left3A = arith.constant 16 : i32
        %shift_left3A_221 = vector.broadcast %shift_left3A : i32 to vector<16xi32>
        %shift_left3A_222 = arith.shli %gather3A, %shift_left3A_221 : vector<16xi32>
        %bitcast3A_223 = vector.bitcast %shift_left3A_222 : vector<16xi32> to vector<16xf32>
        %mul3A_224 = arith.mulf %scan3A_131, %bitcast3A : vector<16xf32>
        %mul3A_225 = arith.mulf %scan3A_132, %bitcast3A_223 : vector<16xf32>
        %add3A_226 = arith.addf %mul3A_224, %mul3A_225 : vector<16xf32>
        %swap3A = arith.constant 0 : i32
        %swap3A_227 = arith.constant 0 : i32
        %swap3A_228 = arith.index_cast %while3A_70 : i32 to index
        %swap3A_229 = arith.index_cast %swap3A : i32 to index
        %swap3A_230 = arith.index_cast %swap3A_227 : i32 to index
        %swap3A_231 = arith.index_cast %min3A_136 : i32 to index
        %swap3A_232 = tpu.vector_load %arg7[%swap3A_228, %swap3A_229, %swap3A_230, %swap3A_231] {strides = array<i32>} : memref<3x16x1x1235xf32, #tpu.memory_space<vmem>>, vector<16xf32>,
        tpu.vector_store %arg7[%swap3A_228, %swap3A_229, %swap3A_230, %swap3A_231], %add3A_226 {strides = array<i32>} : memref<3x16x1x1235xf32, #tpu.memory_space<vmem>>, vector<16xf32>,
        %bitcast3A_233 = vector.bitcast %gather3A_164 : vector<16xi32> to vector<16xf32>
        %shift_left3A_234 = arith.constant 16 : i32
        %shift_left3A_235 = vector.broadcast %shift_left3A_234 : i32 to vector<16xi32>
        %shift_left3A_236 = arith.shli %gather3A_164, %shift_left3A_235 : vector<16xi32>
        %bitcast3A_237 = vector.bitcast %shift_left3A_236 : vector<16xi32> to vector<16xf32>
        %mul3A_238 = arith.mulf %scan3A_131, %bitcast3A_233 : vector<16xf32>
        %mul3A_239 = arith.mulf %scan3A_132, %bitcast3A_237 : vector<16xf32>
        %add3A_240 = arith.addf %mul3A_238, %mul3A_239 : vector<16xf32>
        %swap3A_241 = arith.constant 1 : i32
        %swap3A_242 = arith.constant 0 : i32
        %swap3A_243 = arith.index_cast %while3A_70 : i32 to index
        %swap3A_244 = arith.index_cast %swap3A_241 : i32 to index
        %swap3A_245 = arith.index_cast %swap3A_242 : i32 to index
        %swap3A_246 = arith.index_cast %min3A_136 : i32 to index
        %swap3A_247 = tpu.vector_load %arg7[%swap3A_243, %swap3A_244, %swap3A_245, %swap3A_246] {strides = array<i32>} : memref<3x16x1x1235xf32, #tpu.memory_space<vmem>>, vector<16xf32>,
        tpu.vector_store %arg7[%swap3A_243, %swap3A_244, %swap3A_245, %swap3A_246], %add3A_240 {strides = array<i32>} : memref<3x16x1x1235xf32, #tpu.memory_space<vmem>>, vector<16xf32>,
        %bitcast3A_248 = vector.bitcast %gather3A_168 : vector<16xi32> to vector<16xf32>
        %shift_left3A_249 = arith.constant 16 : i32
        %shift_left3A_250 = vector.broadcast %shift_left3A_249 : i32 to vector<16xi32>
        %shift_left3A_251 = arith.shli %gather3A_168, %shift_left3A_250 : vector<16xi32>
        %bitcast3A_252 = vector.bitcast %shift_left3A_251 : vector<16xi32> to vector<16xf32>
        %mul3A_253 = arith.mulf %scan3A_131, %bitcast3A_248 : vector<16xf32>
        %mul3A_254 = arith.mulf %scan3A_132, %bitcast3A_252 : vector<16xf32>
        %add3A_255 = arith.addf %mul3A_253, %mul3A_254 : vector<16xf32>
        %swap3A_256 = arith.constant 2 : i32
        %swap3A_257 = arith.constant 0 : i32
        %swap3A_258 = arith.index_cast %while3A_70 : i32 to index
        %swap3A_259 = arith.index_cast %swap3A_256 : i32 to index
        %swap3A_260 = arith.index_cast %swap3A_257 : i32 to index
        %swap3A_261 = arith.index_cast %min3A_136 : i32 to index
        %swap3A_262 = tpu.vector_load %arg7[%swap3A_258, %swap3A_259, %swap3A_260, %swap3A_261] {strides = array<i32>} : memref<3x16x1x1235xf32, #tpu.memory_space<vmem>>, vector<16xf32>,
        tpu.vector_store %arg7[%swap3A_258, %swap3A_259, %swap3A_260, %swap3A_261], %add3A_255 {strides = array<i32>} : memref<3x16x1x1235xf32, #tpu.memory_space<vmem>>, vector<16xf32>,
        %bitcast3A_263 = vector.bitcast %gather3A_172 : vector<16xi32> to vector<16xf32>
        %shift_left3A_264 = arith.constant 16 : i32
        %shift_left3A_265 = vector.broadcast %shift_left3A_264 : i32 to vector<16xi32>
        %shift_left3A_266 = arith.shli %gather3A_172, %shift_left3A_265 : vector<16xi32>
        %bitcast3A_267 = vector.bitcast %shift_left3A_266 : vector<16xi32> to vector<16xf32>
        %mul3A_268 = arith.mulf %scan3A_131, %bitcast3A_263 : vector<16xf32>
        %mul3A_269 = arith.mulf %scan3A_132, %bitcast3A_267 : vector<16xf32>
        %add3A_270 = arith.addf %mul3A_268, %mul3A_269 : vector<16xf32>
        %swap3A_271 = arith.constant 3 : i32
        %swap3A_272 = arith.constant 0 : i32
        %swap3A_273 = arith.index_cast %while3A_70 : i32 to index
        %swap3A_274 = arith.index_cast %swap3A_271 : i32 to index
        %swap3A_275 = arith.index_cast %swap3A_272 : i32 to index
        %swap3A_276 = arith.index_cast %min3A_136 : i32 to index
        %swap3A_277 = tpu.vector_load %arg7[%swap3A_273, %swap3A_274, %swap3A_275, %swap3A_276] {strides = array<i32>} : memref<3x16x1x1235xf32, #tpu.memory_space<vmem>>, vector<16xf32>,
        tpu.vector_store %arg7[%swap3A_273, %swap3A_274, %swap3A_275, %swap3A_276], %add3A_270 {strides = array<i32>} : memref<3x16x1x1235xf32, #tpu.memory_space<vmem>>, vector<16xf32>,
        %bitcast3A_278 = vector.bitcast %gather3A_176 : vector<16xi32> to vector<16xf32>
        %shift_left3A_279 = arith.constant 16 : i32
        %shift_left3A_280 = vector.broadcast %shift_left3A_279 : i32 to vector<16xi32>
        %shift_left3A_281 = arith.shli %gather3A_176, %shift_left3A_280 : vector<16xi32>
        %bitcast3A_282 = vector.bitcast %shift_left3A_281 : vector<16xi32> to vector<16xf32>
        %mul3A_283 = arith.mulf %scan3A_131, %bitcast3A_278 : vector<16xf32>
        %mul3A_284 = arith.mulf %scan3A_132, %bitcast3A_282 : vector<16xf32>
        %add3A_285 = arith.addf %mul3A_283, %mul3A_284 : vector<16xf32>
        %swap3A_286 = arith.constant 4 : i32
        %swap3A_287 = arith.constant 0 : i32
        %swap3A_288 = arith.index_cast %while3A_70 : i32 to index
        %swap3A_289 = arith.index_cast %swap3A_286 : i32 to index
        %swap3A_290 = arith.index_cast %swap3A_287 : i32 to index
        %swap3A_291 = arith.index_cast %min3A_136 : i32 to index
        %swap3A_292 = tpu.vector_load %arg7[%swap3A_288, %swap3A_289, %swap3A_290, %swap3A_291] {strides = array<i32>} : memref<3x16x1x1235xf32, #tpu.memory_space<vmem>>, vector<16xf32>,
        tpu.vector_store %arg7[%swap3A_288, %swap3A_289, %swap3A_290, %swap3A_291], %add3A_285 {strides = array<i32>} : memref<3x16x1x1235xf32, #tpu.memory_space<vmem>>, vector<16xf32>,
        %bitcast3A_293 = vector.bitcast %gather3A_180 : vector<16xi32> to vector<16xf32>
        %shift_left3A_294 = arith.constant 16 : i32
        %shift_left3A_295 = vector.broadcast %shift_left3A_294 : i32 to vector<16xi32>
        %shift_left3A_296 = arith.shli %gather3A_180, %shift_left3A_295 : vector<16xi32>
        %bitcast3A_297 = vector.bitcast %shift_left3A_296 : vector<16xi32> to vector<16xf32>
        %mul3A_298 = arith.mulf %scan3A_131, %bitcast3A_293 : vector<16xf32>
        %mul3A_299 = arith.mulf %scan3A_132, %bitcast3A_297 : vector<16xf32>
        %add3A_300 = arith.addf %mul3A_298, %mul3A_299 : vector<16xf32>
        %swap3A_301 = arith.constant 5 : i32
        %swap3A_302 = arith.constant 0 : i32
        %swap3A_303 = arith.index_cast %while3A_70 : i32 to index
        %swap3A_304 = arith.index_cast %swap3A_301 : i32 to index
        %swap3A_305 = arith.index_cast %swap3A_302 : i32 to index
        %swap3A_306 = arith.index_cast %min3A_136 : i32 to index
        %swap3A_307 = tpu.vector_load %arg7[%swap3A_303, %swap3A_304, %swap3A_305, %swap3A_306] {strides = array<i32>} : memref<3x16x1x1235xf32, #tpu.memory_space<vmem>>, vector<16xf32>,
        tpu.vector_store %arg7[%swap3A_303, %swap3A_304, %swap3A_305, %swap3A_306], %add3A_300 {strides = array<i32>} : memref<3x16x1x1235xf32, #tpu.memory_space<vmem>>, vector<16xf32>,
        %bitcast3A_308 = vector.bitcast %gather3A_184 : vector<16xi32> to vector<16xf32>
        %shift_left3A_309 = arith.constant 16 : i32
        %shift_left3A_310 = vector.broadcast %shift_left3A_309 : i32 to vector<16xi32>
        %shift_left3A_311 = arith.shli %gather3A_184, %shift_left3A_310 : vector<16xi32>
        %bitcast3A_312 = vector.bitcast %shift_left3A_311 : vector<16xi32> to vector<16xf32>
        %mul3A_313 = arith.mulf %scan3A_131, %bitcast3A_308 : vector<16xf32>
        %mul3A_314 = arith.mulf %scan3A_132, %bitcast3A_312 : vector<16xf32>
        %add3A_315 = arith.addf %mul3A_313, %mul3A_314 : vector<16xf32>
        %swap3A_316 = arith.constant 6 : i32
        %swap3A_317 = arith.constant 0 : i32
        %swap3A_318 = arith.index_cast %while3A_70 : i32 to index
        %swap3A_319 = arith.index_cast %swap3A_316 : i32 to index
        %swap3A_320 = arith.index_cast %swap3A_317 : i32 to index
        %swap3A_321 = arith.index_cast %min3A_136 : i32 to index
        %swap3A_322 = tpu.vector_load %arg7[%swap3A_318, %swap3A_319, %swap3A_320, %swap3A_321] {strides = array<i32>} : memref<3x16x1x1235xf32, #tpu.memory_space<vmem>>, vector<16xf32>,
        tpu.vector_store %arg7[%swap3A_318, %swap3A_319, %swap3A_320, %swap3A_321], %add3A_315 {strides = array<i32>} : memref<3x16x1x1235xf32, #tpu.memory_space<vmem>>, vector<16xf32>,
        %bitcast3A_323 = vector.bitcast %gather3A_188 : vector<16xi32> to vector<16xf32>
        %shift_left3A_324 = arith.constant 16 : i32
        %shift_left3A_325 = vector.broadcast %shift_left3A_324 : i32 to vector<16xi32>
        %shift_left3A_326 = arith.shli %gather3A_188, %shift_left3A_325 : vector<16xi32>
        %bitcast3A_327 = vector.bitcast %shift_left3A_326 : vector<16xi32> to vector<16xf32>
        %mul3A_328 = arith.mulf %scan3A_131, %bitcast3A_323 : vector<16xf32>
        %mul3A_329 = arith.mulf %scan3A_132, %bitcast3A_327 : vector<16xf32>
        %add3A_330 = arith.addf %mul3A_328, %mul3A_329 : vector<16xf32>
        %swap3A_331 = arith.constant 7 : i32
        %swap3A_332 = arith.constant 0 : i32
        %swap3A_333 = arith.index_cast %while3A_70 : i32 to index
        %swap3A_334 = arith.index_cast %swap3A_331 : i32 to index
        %swap3A_335 = arith.index_cast %swap3A_332 : i32 to index
        %swap3A_336 = arith.index_cast %min3A_136 : i32 to index
        %swap3A_337 = tpu.vector_load %arg7[%swap3A_333, %swap3A_334, %swap3A_335, %swap3A_336] {strides = array<i32>} : memref<3x16x1x1235xf32, #tpu.memory_space<vmem>>, vector<16xf32>,
        tpu.vector_store %arg7[%swap3A_333, %swap3A_334, %swap3A_335, %swap3A_336], %add3A_330 {strides = array<i32>} : memref<3x16x1x1235xf32, #tpu.memory_space<vmem>>, vector<16xf32>,
        %bitcast3A_338 = vector.bitcast %gather3A_192 : vector<16xi32> to vector<16xf32>
        %shift_left3A_339 = arith.constant 16 : i32
        %shift_left3A_340 = vector.broadcast %shift_left3A_339 : i32 to vector<16xi32>
        %shift_left3A_341 = arith.shli %gather3A_192, %shift_left3A_340 : vector<16xi32>
        %bitcast3A_342 = vector.bitcast %shift_left3A_341 : vector<16xi32> to vector<16xf32>
        %mul3A_343 = arith.mulf %scan3A_131, %bitcast3A_338 : vector<16xf32>
        %mul3A_344 = arith.mulf %scan3A_132, %bitcast3A_342 : vector<16xf32>
        %add3A_345 = arith.addf %mul3A_343, %mul3A_344 : vector<16xf32>
        %swap3A_346 = arith.constant 8 : i32
        %swap3A_347 = arith.constant 0 : i32
        %swap3A_348 = arith.index_cast %while3A_70 : i32 to index
        %swap3A_349 = arith.index_cast %swap3A_346 : i32 to index
        %swap3A_350 = arith.index_cast %swap3A_347 : i32 to index
        %swap3A_351 = arith.index_cast %min3A_136 : i32 to index
        %swap3A_352 = tpu.vector_load %arg7[%swap3A_348, %swap3A_349, %swap3A_350, %swap3A_351] {strides = array<i32>} : memref<3x16x1x1235xf32, #tpu.memory_space<vmem>>, vector<16xf32>,
        tpu.vector_store %arg7[%swap3A_348, %swap3A_349, %swap3A_350, %swap3A_351], %add3A_345 {strides = array<i32>} : memref<3x16x1x1235xf32, #tpu.memory_space<vmem>>, vector<16xf32>,
        %bitcast3A_353 = vector.bitcast %gather3A_196 : vector<16xi32> to vector<16xf32>
        %shift_left3A_354 = arith.constant 16 : i32
        %shift_left3A_355 = vector.broadcast %shift_left3A_354 : i32 to vector<16xi32>
        %shift_left3A_356 = arith.shli %gather3A_196, %shift_left3A_355 : vector<16xi32>
        %bitcast3A_357 = vector.bitcast %shift_left3A_356 : vector<16xi32> to vector<16xf32>
        %mul3A_358 = arith.mulf %scan3A_131, %bitcast3A_353 : vector<16xf32>
        %mul3A_359 = arith.mulf %scan3A_132, %bitcast3A_357 : vector<16xf32>
        %add3A_360 = arith.addf %mul3A_358, %mul3A_359 : vector<16xf32>
        %swap3A_361 = arith.constant 9 : i32
        %swap3A_362 = arith.constant 0 : i32
        %swap3A_363 = arith.index_cast %while3A_70 : i32 to index
        %swap3A_364 = arith.index_cast %swap3A_361 : i32 to index
        %swap3A_365 = arith.index_cast %swap3A_362 : i32 to index
        %swap3A_366 = arith.index_cast %min3A_136 : i32 to index
        %swap3A_367 = tpu.vector_load %arg7[%swap3A_363, %swap3A_364, %swap3A_365, %swap3A_366] {strides = array<i32>} : memref<3x16x1x1235xf32, #tpu.memory_space<vmem>>, vector<16xf32>,
        tpu.vector_store %arg7[%swap3A_363, %swap3A_364, %swap3A_365, %swap3A_366], %add3A_360 {strides = array<i32>} : memref<3x16x1x1235xf32, #tpu.memory_space<vmem>>, vector<16xf32>,
        %bitcast3A_368 = vector.bitcast %gather3A_200 : vector<16xi32> to vector<16xf32>
        %shift_left3A_369 = arith.constant 16 : i32
        %shift_left3A_370 = vector.broadcast %shift_left3A_369 : i32 to vector<16xi32>
        %shift_left3A_371 = arith.shli %gather3A_200, %shift_left3A_370 : vector<16xi32>
        %bitcast3A_372 = vector.bitcast %shift_left3A_371 : vector<16xi32> to vector<16xf32>
        %mul3A_373 = arith.mulf %scan3A_131, %bitcast3A_368 : vector<16xf32>
        %mul3A_374 = arith.mulf %scan3A_132, %bitcast3A_372 : vector<16xf32>
        %add3A_375 = arith.addf %mul3A_373, %mul3A_374 : vector<16xf32>
        %swap3A_376 = arith.constant 10 : i32
        %swap3A_377 = arith.constant 0 : i32
        %swap3A_378 = arith.index_cast %while3A_70 : i32 to index
        %swap3A_379 = arith.index_cast %swap3A_376 : i32 to index
        %swap3A_380 = arith.index_cast %swap3A_377 : i32 to index
        %swap3A_381 = arith.index_cast %min3A_136 : i32 to index
        %swap3A_382 = tpu.vector_load %arg7[%swap3A_378, %swap3A_379, %swap3A_380, %swap3A_381] {strides = array<i32>} : memref<3x16x1x1235xf32, #tpu.memory_space<vmem>>, vector<16xf32>,
        tpu.vector_store %arg7[%swap3A_378, %swap3A_379, %swap3A_380, %swap3A_381], %add3A_375 {strides = array<i32>} : memref<3x16x1x1235xf32, #tpu.memory_space<vmem>>, vector<16xf32>,
        %bitcast3A_383 = vector.bitcast %gather3A_204 : vector<16xi32> to vector<16xf32>
        %shift_left3A_384 = arith.constant 16 : i32
        %shift_left3A_385 = vector.broadcast %shift_left3A_384 : i32 to vector<16xi32>
        %shift_left3A_386 = arith.shli %gather3A_204, %shift_left3A_385 : vector<16xi32>
        %bitcast3A_387 = vector.bitcast %shift_left3A_386 : vector<16xi32> to vector<16xf32>
        %mul3A_388 = arith.mulf %scan3A_131, %bitcast3A_383 : vector<16xf32>
        %mul3A_389 = arith.mulf %scan3A_132, %bitcast3A_387 : vector<16xf32>
        %add3A_390 = arith.addf %mul3A_388, %mul3A_389 : vector<16xf32>
        %swap3A_391 = arith.constant 11 : i32
        %swap3A_392 = arith.constant 0 : i32
        %swap3A_393 = arith.index_cast %while3A_70 : i32 to index
        %swap3A_394 = arith.index_cast %swap3A_391 : i32 to index
        %swap3A_395 = arith.index_cast %swap3A_392 : i32 to index
        %swap3A_396 = arith.index_cast %min3A_136 : i32 to index
        %swap3A_397 = tpu.vector_load %arg7[%swap3A_393, %swap3A_394, %swap3A_395, %swap3A_396] {strides = array<i32>} : memref<3x16x1x1235xf32, #tpu.memory_space<vmem>>, vector<16xf32>,
        tpu.vector_store %arg7[%swap3A_393, %swap3A_394, %swap3A_395, %swap3A_396], %add3A_390 {strides = array<i32>} : memref<3x16x1x1235xf32, #tpu.memory_space<vmem>>, vector<16xf32>,
        %bitcast3A_398 = vector.bitcast %gather3A_208 : vector<16xi32> to vector<16xf32>
        %shift_left3A_399 = arith.constant 16 : i32
        %shift_left3A_400 = vector.broadcast %shift_left3A_399 : i32 to vector<16xi32>
        %shift_left3A_401 = arith.shli %gather3A_208, %shift_left3A_400 : vector<16xi32>
        %bitcast3A_402 = vector.bitcast %shift_left3A_401 : vector<16xi32> to vector<16xf32>
        %mul3A_403 = arith.mulf %scan3A_131, %bitcast3A_398 : vector<16xf32>
        %mul3A_404 = arith.mulf %scan3A_132, %bitcast3A_402 : vector<16xf32>
        %add3A_405 = arith.addf %mul3A_403, %mul3A_404 : vector<16xf32>
        %swap3A_406 = arith.constant 12 : i32
        %swap3A_407 = arith.constant 0 : i32
        %swap3A_408 = arith.index_cast %while3A_70 : i32 to index
        %swap3A_409 = arith.index_cast %swap3A_406 : i32 to index
        %swap3A_410 = arith.index_cast %swap3A_407 : i32 to index
        %swap3A_411 = arith.index_cast %min3A_136 : i32 to index
        %swap3A_412 = tpu.vector_load %arg7[%swap3A_408, %swap3A_409, %swap3A_410, %swap3A_411] {strides = array<i32>} : memref<3x16x1x1235xf32, #tpu.memory_space<vmem>>, vector<16xf32>,
        tpu.vector_store %arg7[%swap3A_408, %swap3A_409, %swap3A_410, %swap3A_411], %add3A_405 {strides = array<i32>} : memref<3x16x1x1235xf32, #tpu.memory_space<vmem>>, vector<16xf32>,
        %bitcast3A_413 = vector.bitcast %gather3A_212 : vector<16xi32> to vector<16xf32>
        %shift_left3A_414 = arith.constant 16 : i32
        %shift_left3A_415 = vector.broadcast %shift_left3A_414 : i32 to vector<16xi32>
        %shift_left3A_416 = arith.shli %gather3A_212, %shift_left3A_415 : vector<16xi32>
        %bitcast3A_417 = vector.bitcast %shift_left3A_416 : vector<16xi32> to vector<16xf32>
        %mul3A_418 = arith.mulf %scan3A_131, %bitcast3A_413 : vector<16xf32>
        %mul3A_419 = arith.mulf %scan3A_132, %bitcast3A_417 : vector<16xf32>
        %add3A_420 = arith.addf %mul3A_418, %mul3A_419 : vector<16xf32>
        %swap3A_421 = arith.constant 13 : i32
        %swap3A_422 = arith.constant 0 : i32
        %swap3A_423 = arith.index_cast %while3A_70 : i32 to index
        %swap3A_424 = arith.index_cast %swap3A_421 : i32 to index
        %swap3A_425 = arith.index_cast %swap3A_422 : i32 to index
        %swap3A_426 = arith.index_cast %min3A_136 : i32 to index
        %swap3A_427 = tpu.vector_load %arg7[%swap3A_423, %swap3A_424, %swap3A_425, %swap3A_426] {strides = array<i32>} : memref<3x16x1x1235xf32, #tpu.memory_space<vmem>>, vector<16xf32>,
        tpu.vector_store %arg7[%swap3A_423, %swap3A_424, %swap3A_425, %swap3A_426], %add3A_420 {strides = array<i32>} : memref<3x16x1x1235xf32, #tpu.memory_space<vmem>>, vector<16xf32>,
        %bitcast3A_428 = vector.bitcast %gather3A_216 : vector<16xi32> to vector<16xf32>
        %shift_left3A_429 = arith.constant 16 : i32
        %shift_left3A_430 = vector.broadcast %shift_left3A_429 : i32 to vector<16xi32>
        %shift_left3A_431 = arith.shli %gather3A_216, %shift_left3A_430 : vector<16xi32>
        %bitcast3A_432 = vector.bitcast %shift_left3A_431 : vector<16xi32> to vector<16xf32>
        %mul3A_433 = arith.mulf %scan3A_131, %bitcast3A_428 : vector<16xf32>
        %mul3A_434 = arith.mulf %scan3A_132, %bitcast3A_432 : vector<16xf32>
        %add3A_435 = arith.addf %mul3A_433, %mul3A_434 : vector<16xf32>
        %swap3A_436 = arith.constant 14 : i32
        %swap3A_437 = arith.constant 0 : i32
        %swap3A_438 = arith.index_cast %while3A_70 : i32 to index
        %swap3A_439 = arith.index_cast %swap3A_436 : i32 to index
        %swap3A_440 = arith.index_cast %swap3A_437 : i32 to index
        %swap3A_441 = arith.index_cast %min3A_136 : i32 to index
        %swap3A_442 = tpu.vector_load %arg7[%swap3A_438, %swap3A_439, %swap3A_440, %swap3A_441] {strides = array<i32>} : memref<3x16x1x1235xf32, #tpu.memory_space<vmem>>, vector<16xf32>,
        tpu.vector_store %arg7[%swap3A_438, %swap3A_439, %swap3A_440, %swap3A_441], %add3A_435 {strides = array<i32>} : memref<3x16x1x1235xf32, #tpu.memory_space<vmem>>, vector<16xf32>,
        %bitcast3A_443 = vector.bitcast %gather3A_220 : vector<16xi32> to vector<16xf32>
        %shift_left3A_444 = arith.constant 16 : i32
        %shift_left3A_445 = vector.broadcast %shift_left3A_444 : i32 to vector<16xi32>
        %shift_left3A_446 = arith.shli %gather3A_220, %shift_left3A_445 : vector<16xi32>
        %bitcast3A_447 = vector.bitcast %shift_left3A_446 : vector<16xi32> to vector<16xf32>
        %mul3A_448 = arith.mulf %scan3A_131, %bitcast3A_443 : vector<16xf32>
        %mul3A_449 = arith.mulf %scan3A_132, %bitcast3A_447 : vector<16xf32>
        %add3A_450 = arith.addf %mul3A_448, %mul3A_449 : vector<16xf32>
        %swap3A_451 = arith.constant 15 : i32
        %swap3A_452 = arith.constant 0 : i32
        %swap3A_453 = arith.index_cast %while3A_70 : i32 to index
        %swap3A_454 = arith.index_cast %swap3A_451 : i32 to index
        %swap3A_455 = arith.index_cast %swap3A_452 : i32 to index
        %swap3A_456 = arith.index_cast %min3A_136 : i32 to index
        %swap3A_457 = tpu.vector_load %arg7[%swap3A_453, %swap3A_454, %swap3A_455, %swap3A_456] {strides = array<i32>} : memref<3x16x1x1235xf32, #tpu.memory_space<vmem>>, vector<16xf32>,
        tpu.vector_store %arg7[%swap3A_453, %swap3A_454, %swap3A_455, %swap3A_456], %add3A_450 {strides = array<i32>} : memref<3x16x1x1235xf32, #tpu.memory_space<vmem>>, vector<16xf32>,
        scf.yield %convert_element_type3A_152, %sub3A_157, %sub3A_154 : vector<16xi32>, vector<16xf32>, vector<16xf32>
      }
      %scan3A_107 = arith.constant 78 : i32
      %dma_start3A = arith.constant 0 : i32
      %dma_start3A_108 = arith.constant 0 : i32
      %dma_start3A_109 = arith.constant 0 : i32
      %dma_start3A_110 = tpu.memref_slice %arg7[%while3A_70, %dma_start3A, %dma_start3A_108, %dma_start3A_109] : memref<3x16x1x1235xf32, #tpu.memory_space<vmem>> -> memref<1x16x1x1235xf32, #tpu.memory_space<vmem>>
      %dma_start3A_111 = tpu.memref_squeeze %dma_start3A_110 : memref<1x16x1x1235xf32, #tpu.memory_space<vmem>> -> memref<16x1x1235xf32, #tpu.memory_space<vmem>>
      %dma_start3A_112 = arith.constant 0 : i32
      %dma_start3A_113 = arith.constant 0 : i32
      %dma_start3A_114 = tpu.memref_slice %arg4[%dma_start3A_112, %add3A_71, %dma_start3A_113] : memref<16x1235x1235xf32, #tpu.memory_space<hbm>> -> memref<16x1x1235xf32, #tpu.memory_space<hbm>>
      %dma_start3A_115 = arith.constant 0 : i32
      %dma_start3A_116 = arith.constant 0 : i32
      %dma_start3A_117 = tpu.memref_slice %arg4[%dma_start3A_115, %add3A_71, %dma_start3A_116] : memref<16x1235x1235xf32, #tpu.memory_space<hbm>> -> memref<16x1x1235xf32, #tpu.memory_space<hbm>>
      %dma_start3A_118 = arith.constant 0 : i32
      %dma_start3A_119 = arith.constant 0 : i32
      %dma_start3A_120 = arith.constant 0 : i32
      %dma_start3A_121 = tpu.memref_slice %arg7[%while3A_70, %dma_start3A_118, %dma_start3A_119, %dma_start3A_120] : memref<3x16x1x1235xf32, #tpu.memory_space<vmem>> -> memref<1x16x1x1235xf32, #tpu.memory_space<vmem>>
      %dma_start3A_122 = tpu.memref_squeeze %dma_start3A_121 : memref<1x16x1x1235xf32, #tpu.memory_space<vmem>> -> memref<16x1x1235xf32, #tpu.memory_space<vmem>>
      tpu.enqueue_dma source(%dma_start3A_122 : memref<16x1x1235xf32, #tpu.memory_space<vmem>>) target(%dma_start3A_117 : memref<16x1x1235xf32, #tpu.memory_space<hbm>>) target_semaphore(%arg9 : memref<!tpu.dma_semaphore, #tpu.memory_space<semaphore_mem>>)
      %eq3A_123 = arith.constant 2 : i32
      %eq3A_124 = arith.cmpi eq, %while3A_70, %eq3A_123 : i32
      %add3A_125 = arith.constant 1 : i32
      %add3A_126 = arith.addi %while3A_70, %add3A_125 : i32
      %jit3A_127 = arith.constant 0 : i32
      %select_n3A_128 = arith.select %eq3A_124, %jit3A_127, %add3A_126 : i32
      scf.yield %select_n3A_128 : i32
    }
    %ge3A_55 = arith.constant 1 : i32
    %ge3A_56 = arith.cmpi sge, %sub3A_43, %ge3A_55 : i32
    %convert_element_type3A_57 = arith.extui %ge3A_56 : i1 to i32
    %cond3A = arith.constant 0 : i32
    %cond3A_58 = arith.cmpi ne, %convert_element_type3A_57, %cond3A : i32
    scf.if %cond3A_58 {
      %dma_wait3A = arith.constant 0 : i32
      %dma_wait3A_69 = arith.constant 0 : i32
      %dma_wait3A_70 = arith.constant 0 : i32
      %dma_wait3A_71 = arith.constant 0 : i32
      %dma_wait3A_72 = tpu.memref_slice %arg7[%dma_wait3A, %dma_wait3A_69, %dma_wait3A_70, %dma_wait3A_71] : memref<3x16x1x1235xf32, #tpu.memory_space<vmem>> -> memref<1x16x1x1235xf32, #tpu.memory_space<vmem>>
      %dma_wait3A_73 = tpu.memref_squeeze %dma_wait3A_72 : memref<1x16x1x1235xf32, #tpu.memory_space<vmem>> -> memref<16x1x1235xf32, #tpu.memory_space<vmem>>
      %dma_wait3A_74 = arith.constant 0 : i32
      %dma_wait3A_75 = arith.constant 0 : i32
      %dma_wait3A_76 = tpu.memref_slice %arg4[%dma_wait3A_74, %add3A_40, %dma_wait3A_75] : memref<16x1235x1235xf32, #tpu.memory_space<hbm>> -> memref<16x1x1235xf32, #tpu.memory_space<hbm>>
      %dma_wait3A_77 = arith.constant 0 : i32
      %dma_wait3A_78 = arith.constant 0 : i32
      %dma_wait3A_79 = tpu.memref_slice %arg4[%dma_wait3A_77, %add3A_40, %dma_wait3A_78] : memref<16x1235x1235xf32, #tpu.memory_space<hbm>> -> memref<16x1x1235xf32, #tpu.memory_space<hbm>>
      %dma_wait3A_80 = arith.constant 0 : i32
      %dma_wait3A_81 = arith.constant 0 : i32
      %dma_wait3A_82 = arith.constant 0 : i32
      %dma_wait3A_83 = tpu.memref_slice %arg7[%dma_wait3A, %dma_wait3A_80, %dma_wait3A_81, %dma_wait3A_82] : memref<3x16x1x1235xf32, #tpu.memory_space<vmem>> -> memref<1x16x1x1235xf32, #tpu.memory_space<vmem>>
      %dma_wait3A_84 = tpu.memref_squeeze %dma_wait3A_83 : memref<1x16x1x1235xf32, #tpu.memory_space<vmem>> -> memref<16x1x1235xf32, #tpu.memory_space<vmem>>
      tpu.wait_dma2 semaphore(%arg9 : memref<!tpu.dma_semaphore, #tpu.memory_space<semaphore_mem>>) src(%dma_wait3A_84 : memref<16x1x1235xf32, #tpu.memory_space<vmem>>) dst(%dma_wait3A_79 : memref<16x1x1235xf32, #tpu.memory_space<hbm>>)
    } else {
    }
    %ge3A_59 = arith.constant 2 : i32
    %ge3A_60 = arith.cmpi sge, %sub3A_43, %ge3A_59 : i32
    %convert_element_type3A_61 = arith.extui %ge3A_60 : i1 to i32
    %cond3A_62 = arith.constant 0 : i32
    %cond3A_63 = arith.cmpi ne, %convert_element_type3A_61, %cond3A_62 : i32
    scf.if %cond3A_63 {
      %dma_wait3A = arith.constant 0 : i32
      %dma_wait3A_69 = arith.constant 0 : i32
      %dma_wait3A_70 = arith.constant 0 : i32
      %dma_wait3A_71 = arith.constant 0 : i32
      %dma_wait3A_72 = tpu.memref_slice %arg7[%dma_wait3A, %dma_wait3A_69, %dma_wait3A_70, %dma_wait3A_71] : memref<3x16x1x1235xf32, #tpu.memory_space<vmem>> -> memref<1x16x1x1235xf32, #tpu.memory_space<vmem>>
      %dma_wait3A_73 = tpu.memref_squeeze %dma_wait3A_72 : memref<1x16x1x1235xf32, #tpu.memory_space<vmem>> -> memref<16x1x1235xf32, #tpu.memory_space<vmem>>
      %dma_wait3A_74 = arith.constant 0 : i32
      %dma_wait3A_75 = arith.constant 0 : i32
      %dma_wait3A_76 = tpu.memref_slice %arg4[%dma_wait3A_74, %add3A_40, %dma_wait3A_75] : memref<16x1235x1235xf32, #tpu.memory_space<hbm>> -> memref<16x1x1235xf32, #tpu.memory_space<hbm>>
      %dma_wait3A_77 = arith.constant 0 : i32
      %dma_wait3A_78 = arith.constant 0 : i32
      %dma_wait3A_79 = tpu.memref_slice %arg4[%dma_wait3A_77, %add3A_40, %dma_wait3A_78] : memref<16x1235x1235xf32, #tpu.memory_space<hbm>> -> memref<16x1x1235xf32, #tpu.memory_space<hbm>>
      %dma_wait3A_80 = arith.constant 0 : i32
      %dma_wait3A_81 = arith.constant 0 : i32
      %dma_wait3A_82 = arith.constant 0 : i32
      %dma_wait3A_83 = tpu.memref_slice %arg7[%dma_wait3A, %dma_wait3A_80, %dma_wait3A_81, %dma_wait3A_82] : memref<3x16x1x1235xf32, #tpu.memory_space<vmem>> -> memref<1x16x1x1235xf32, #tpu.memory_space<vmem>>
      %dma_wait3A_84 = tpu.memref_squeeze %dma_wait3A_83 : memref<1x16x1x1235xf32, #tpu.memory_space<vmem>> -> memref<16x1x1235xf32, #tpu.memory_space<vmem>>
      tpu.wait_dma2 semaphore(%arg9 : memref<!tpu.dma_semaphore, #tpu.memory_space<semaphore_mem>>) src(%dma_wait3A_84 : memref<16x1x1235xf32, #tpu.memory_space<vmem>>) dst(%dma_wait3A_79 : memref<16x1x1235xf32, #tpu.memory_space<hbm>>)
    } else {
    }
    %ge3A_64 = arith.constant 3 : i32
    %ge3A_65 = arith.cmpi sge, %sub3A_43, %ge3A_64 : i32
    %convert_element_type3A_66 = arith.extui %ge3A_65 : i1 to i32
    %cond3A_67 = arith.constant 0 : i32
    %cond3A_68 = arith.cmpi ne, %convert_element_type3A_66, %cond3A_67 : i32
    scf.if %cond3A_68 {
      %dma_wait3A = arith.constant 0 : i32
      %dma_wait3A_69 = arith.constant 0 : i32
      %dma_wait3A_70 = arith.constant 0 : i32
      %dma_wait3A_71 = arith.constant 0 : i32
      %dma_wait3A_72 = tpu.memref_slice %arg7[%dma_wait3A, %dma_wait3A_69, %dma_wait3A_70, %dma_wait3A_71] : memref<3x16x1x1235xf32, #tpu.memory_space<vmem>> -> memref<1x16x1x1235xf32, #tpu.memory_space<vmem>>
      %dma_wait3A_73 = tpu.memref_squeeze %dma_wait3A_72 : memref<1x16x1x1235xf32, #tpu.memory_space<vmem>> -> memref<16x1x1235xf32, #tpu.memory_space<vmem>>
      %dma_wait3A_74 = arith.constant 0 : i32
      %dma_wait3A_75 = arith.constant 0 : i32
      %dma_wait3A_76 = tpu.memref_slice %arg4[%dma_wait3A_74, %add3A_40, %dma_wait3A_75] : memref<16x1235x1235xf32, #tpu.memory_space<hbm>> -> memref<16x1x1235xf32, #tpu.memory_space<hbm>>
      %dma_wait3A_77 = arith.constant 0 : i32
      %dma_wait3A_78 = arith.constant 0 : i32
      %dma_wait3A_79 = tpu.memref_slice %arg4[%dma_wait3A_77, %add3A_40, %dma_wait3A_78] : memref<16x1235x1235xf32, #tpu.memory_space<hbm>> -> memref<16x1x1235xf32, #tpu.memory_space<hbm>>
      %dma_wait3A_80 = arith.constant 0 : i32
      %dma_wait3A_81 = arith.constant 0 : i32
      %dma_wait3A_82 = arith.constant 0 : i32
      %dma_wait3A_83 = tpu.memref_slice %arg7[%dma_wait3A, %dma_wait3A_80, %dma_wait3A_81, %dma_wait3A_82] : memref<3x16x1x1235xf32, #tpu.memory_space<vmem>> -> memref<1x16x1x1235xf32, #tpu.memory_space<vmem>>
      %dma_wait3A_84 = tpu.memref_squeeze %dma_wait3A_83 : memref<1x16x1x1235xf32, #tpu.memory_space<vmem>> -> memref<16x1x1235xf32, #tpu.memory_space<vmem>>
      tpu.wait_dma2 semaphore(%arg9 : memref<!tpu.dma_semaphore, #tpu.memory_space<semaphore_mem>>) src(%dma_wait3A_84 : memref<16x1x1235xf32, #tpu.memory_space<vmem>>) dst(%dma_wait3A_79 : memref<16x1x1235xf32, #tpu.memory_space<hbm>>)
    } else {
    }
    return
  }
}

</mosaic_0001>

<sc_bundles>
// kernel: _run.3.cloned.1.call-start
scs
__scs_entry_jumppad:
0x0: {  	(pc) =	sbr.rel $0x88, $3  }
0x1: {  	(tag) =	ssettag $0x0;
	lr =	simm.s32 $0x1  }
0x2: {  	[smem:$0x3F9F] =	sst lr;
	_ =	strace $0xD0000000  }
0x3: {  	_ = 	snop  }
0x4: {  	_ = 	snop  }
0x5: {  	_ = 	snop  }
0x6: {  	_ = 	snop  }
0x7: {  	_ = 	snop  }
__scs_overlays_trampoline_lowered:
0x8: {  	[smem:$0x3FAE] =	sst s0  }
0x9: {  	[smem:$0x3FAF] =	sst s1  }
0xa: {  	[smem:$0x3FB0] =	sst s2  }
0xb: {  	[smem:$0x3FB1] =	sst s3  }
0xc: {  	[smem:$0x3FB2] =	sst s4  }
0xd: {  	[smem:$0x3FB3] =	sst s5  }
0xe: {  	[smem:$0x3FB4] =	sst s6  }
0xf: {  	[smem:$0x3FB5] =	sst s7  }
0x10: {  	[smem:$0x3FB6] =	sst s8  }
0x11: {  	[smem:$0x3FB7] =	sst s9;
	s0 =	simm.s32 @!p0 $0x0  }
0x12: {  	s1 =	sld [smem:$0x3F9D];
	s0 =	simm.s32 @p0 $0x1  }
0x13: {  	[smem:$0x3FB8] =	sst s0;
	s0 =	simm.s32 @!p1 $0x0  }
0x14: {  	s2 =	sld [smem:$0x3F9C];
	s0 =	simm.s32 @p1 $0x1  }
0x15: {  	[smem:$0x3FB9] =	sst s0;
	s0 =	simm.s32 @!p2 $0x0  }
0x16: {  	s3 =	sld [smem:$0x3FDB];
	s0 =	simm.s32 @p2 $0x1  }
0x17: {  	s4 =	simm.s32 $0x1BF5;
	[smem:$0x3FBB] =	sst s0  }
0x18: {  	s0 =	sld [smem:$0x3F9E];
	_ =	swait.ge [sflag:s4], $0x0  }
0x19: {  	s7 =	sld [smem:$0x3F9F]  }
0x1a: {  	s8 =	sadd.s32 $0xFFFFE003, lr  }
0x1b: {  	s9 =	sadd.s32 $0xFFFFFEF7, lr;
	s5 =	simm.s32 $0xFFFFFFFF;
	p2 =	slt.u32 s8, $0xFFFFF086  }
0x1c: {  	p1 =	slt.u32 s9, $0xF7A;
	s5 =	simm.s32 @!p2 $0x0  }
0x1d: {  	s5 =	simm.s32 @p1 $0x1;
	p0 =	seq.s32 s7, s2  }
0x1e: {  	s7 =	smul.u32 @!p0 $0xF7A, s2;
	p2 =	seq.s32 @!p0 s5, $0x0  }
0x1f: {  	s9 =	smul.u32 $0xF7A, s1;
	s8 =	simm.s32 @!p0 $0x1BF5;
	p2 =	por !p2, p0  }
0x20: {  	[sflag:s8] =	ssyncset.s32 @!p0 $0xFFFFF086;
	s6 =	sadd.s32 @!p0 s3, s7;
	s7 =	simm.s32 @!p0 $0x108  }
0x21: {  	s3 =	sadd.s32 s3, s9;
	s6 =	sadd.s32 @!p0 $0x88, s6;
	s7 =	simm.s32 @p2 $0x1082  }
0x22: {  	[simem:s7], [sflag:s8] =	dma.local @!p0 [hbm:s6], $0xF7A  }
0x23: {  	s9 =	sor.u32 $0xD0000000, s2;
	s6 =	simm.s32 $0x108;
	_ =	swait.ge @!p0 [sflag:s8], $0x0  }
0x24: {  	s3 =	sadd.s32 $0x88, s3;
	s6 =	simm.s32 @!p1 $0x1082;
	[sflag:s4] =	ssyncset.s32 $0xFFFFF086  }
0x25: {  	[simem:s6], [sflag:s4] =	dma.local [hbm:s3], $0xF7A  }
0x26: {  	[smem:$0x3F9F] =	sst s1;
	(tag) =	ssettag s2;
	_ =	strace s9  }
0x27: {  	s1 =	sld [smem:$0x3FAF]  }
0x28: {  	s2 =	sld [smem:$0x3FB0]  }
0x29: {  	s4 =	sld [smem:$0x3FB2]  }
0x2a: {  	p0 =	seq.s32 s5, $0x0;
	s5 =	sld [smem:$0x3FB3]  }
0x2b: {  	s6 =	sld [smem:$0x3FB4]  }
0x2c: {  	s7 =	sld [smem:$0x3FB5]  }
0x2d: {  	s3 =	simm.s32 $0x108;
	s8 =	sld [smem:$0x3FB6]  }
0x2e: {  	s3 =	simm.s32 @!p0 $0x1082;
	s9 =	sld [smem:$0x3FB7]  }
0x2f: {  	lr =	sadd.s32 s0, s3;
	s0 =	sld [smem:$0x3FAE]  }
0x30: {  	s3 =	sld [smem:$0x3FB1]  }
0x31: {  	[smem:$0x3FBA] =	sst s10  }
0x32: {  	s10 =	sld [smem:$0x3FB8];
	_ =	sdelay $0x3  }
0x33: {  	p0 =	seq.s32 s10, $0x1;
	s10 =	sld [smem:$0x3FBA];
	_ =	sdelay $0x3  }
0x34: {  	[smem:$0x3FBA] =	sst s10  }
0x35: {  	s10 =	sld [smem:$0x3FB9];
	_ =	sdelay $0x3  }
0x36: {  	p1 =	seq.s32 s10, $0x1;
	s10 =	sld [smem:$0x3FBA];
	_ =	sdelay $0x3  }
0x37: {  	[smem:$0x3FBA] =	sst s10  }
0x38: {  	s10 =	sld [smem:$0x3FBB]  }
0x39: {  	_ = 	snop;
	(pc) =	sbr.ind lr, $3  }
0x3a: {  	_ = 	snop  }
0x3b: {  	_ = 	snop  }
0x3c: {  	p2 =	seq.s32 s10, $0x1;
	s10 =	sld [smem:$0x3FBA]  }
0x3d: {  	_ =	shalt  }
0x3e: {  	_ =	shalt  }
0x3f: {  	_ =	shalt  }
0x40: {  	_ =	shalt  }
0x41: {  	_ =	shalt  }
0x42: {  	_ =	shalt  }
0x43: {  	_ =	shalt  }
0x44: {  	_ =	shalt  }
0x45: {  	_ =	shalt  }
0x46: {  	_ =	shalt  }
0x47: {  	_ =	shalt  }
0x48: {  	_ =	shalt  }
0x49: {  	_ =	shalt  }
0x4a: {  	_ =	shalt  }
0x4b: {  	_ =	shalt  }
0x4c: {  	_ =	shalt  }
0x4d: {  	_ =	shalt  }
0x4e: {  	_ =	shalt  }
0x4f: {  	_ =	shalt  }
0x50: {  	_ =	shalt  }
0x51: {  	_ =	shalt  }
0x52: {  	_ =	shalt  }
0x53: {  	_ =	shalt  }
0x54: {  	_ =	shalt  }
0x55: {  	_ =	shalt  }
0x56: {  	_ =	shalt  }
0x57: {  	_ =	shalt  }
0x58: {  	_ =	shalt  }
0x59: {  	_ =	shalt  }
0x5a: {  	_ =	shalt  }
0x5b: {  	_ =	shalt  }
0x5c: {  	_ =	shalt  }
0x5d: {  	_ =	shalt  }
0x5e: {  	_ =	shalt  }
0x5f: {  	_ =	shalt  }
0x60: {  	_ =	shalt  }
0x61: {  	_ =	shalt  }
0x62: {  	_ =	shalt  }
0x63: {  	_ =	shalt  }
0x64: {  	_ =	shalt  }
0x65: {  	_ =	shalt  }
0x66: {  	_ =	shalt  }
0x67: {  	_ =	shalt  }
0x68: {  	_ =	shalt  }
0x69: {  	_ =	shalt  }
0x6a: {  	_ =	shalt  }
0x6b: {  	_ =	shalt  }
0x6c: {  	_ =	shalt  }
0x6d: {  	_ =	shalt  }
0x6e: {  	_ =	shalt  }
0x6f: {  	_ =	shalt  }
0x70: {  	_ =	shalt  }
0x71: {  	_ =	shalt  }
0x72: {  	_ =	shalt  }
0x73: {  	_ =	shalt  }
0x74: {  	_ =	shalt  }
0x75: {  	_ =	shalt  }
0x76: {  	_ =	shalt  }
0x77: {  	_ =	shalt  }
0x78: {  	_ =	shalt  }
0x79: {  	_ =	shalt  }
0x7a: {  	_ =	shalt  }
0x7b: {  	_ =	shalt  }
0x7c: {  	_ =	shalt  }
0x7d: {  	_ =	shalt  }
0x7e: {  	_ =	shalt  }
0x7f: {  	_ =	shalt  }
0x80: {  	_ =	shalt  }
0x81: {  	_ =	shalt  }
0x82: {  	_ =	shalt  }
0x83: {  	_ =	shalt  }
0x84: {  	_ =	shalt  }
0x85: {  	_ =	shalt  }
0x86: {  	_ =	shalt  }
0x87: {  	_ =	shalt  }
.Lfunc_end0:
.L_simem_size_0:
called_computation_lowered:
.L_overlay_start_0:
0x88: {  	s2 =	sld [smem:$0x3FD9]  }
0x89: {  	s3 =	sld [smem:$0x3FFE];
	_ =	sdelay $0x1  }
0x8a: {  	s1 =	srdreg.scid  }
0x8b: {  	s0 =	sand.u32 $0x1, s1  }
0x8c: {  	s17 =	sshll.u32 s0, $0xA;
	s2 =	sadd.s32 s3, s2  }
0x8d: {  	s2 =	sadd.s32 s2, s17  }
0x8e: {  	[smem:$0x3FC6] =	sst s2  }
0x8f: {  	_ = 	snop  }
0x90: {  	s2 =	sld [smem:$0x3FC9]  }
0x91: {  	s18 =	sld [smem:$0x3FC8];
	(tm) =	ssettm $0x1  }
0x92: {  	s4 =	sld [smem:$0x3FFB];
	_ =	sdelay $0x3  }
0x93: {  	_ =	strace s4  }
0x94: {  	s4 =	sld [smem:$0x3FFC];
	_ =	sdelay $0x3  }
0x95: {  	_ =	strace s4  }
0x96: {  	s4 =	sld [smem:$0x3FFD];
	_ =	sdelay $0x3  }
0x97: {  	_ =	strace s4  }
0x98: {  	_ =	strace $0x8FFFFFFF  }
0x99: {  	s19 =	sld [smem:$0x3FDB];
	_ =	sdelay $0x1  }
0x9a: {  	s5 =	simm.s32 $_scs_section_size  }
0x9b: {  	s6 =	simm.s32 $_size__tile_overlayer_lowered;
	s7 =	simm.s32 $_tile_overlayer_lowered  }
0x9c: {  	s22 =	simm.s32 $0x1BFF;
	s21 =	sshll.u32 s7, $0x1;
	s4 =	sadd.s32 s5, s19  }
0x9d: {  	s8 =	simm.s32 $0x0;
	s20 =	sshll.u32 s6, $0x1;
	s6 =	sadd.s32 s21, s4  }
0x9e: {  	[timem:s8], [sflag:s22] =	dma.local [hbm:s6], s20  }
0x9f: {  	_ =	swait.ge [sflag:s22], s20  }
0xa0: {  	s5 =	ssub.s32 $0x0, s20;
	[sflag:s22] =	ssyncset.done $0x0  }
0xa1: {  	[sflag:s22] =	ssyncadd.s32 s5;
	_ =	sdelay $0x1  }
0xa2: {  	s23 =	simm.s32 $0x1B8B  }
0xa3: {  	_ =	swait.ge [sflag:s23], $0x1  }
0xa4: {  	[sflag:s23] =	ssyncset.done $0x0  }
0xa5: {  	s25 =	simm.s32 $0x1B8E;
	s24 =	sld [smem:$0x3FFE];
	[sflag:s23] =	ssyncadd.s32 $0xFFFFFFFF  }
0xa6: {  	s26 =	simm.s32 $execute0_lowered;
	[smem:$0x3FD2] =	sst s25  }
0xa7: {  	s6 =	sshll.u32 s26, $0x1;
	_ =	strace $0x80000046;
	[dreg:$0x1] =	wrdreg $0xFFFFFFFF  }
0xa8: {  	s28 =	simm.s32 $_size_execute0_lowered;
	s4 =	sadd.s32 s4, s6;
	[dreg:$0x0] =	wrdreg $0x0  }
0xa9: {  	s6 =	sshll.u32 s28, $0x1;
	[dreg:$0x2] =	wrdreg s4  }
0xaa: {  	[dreg:$0x3] =	wrdreg s6  }
0xab: {  	[dreg:$0x4] =	wrdreg $0xC0  }
0xac: {  	_ =	task [dreg:s8], $0x5FFFF  }
0xad: {  	[dreg:$0x1] =	wrdreg $0xFFFFFFFF  }
0xae: {  	[dreg:$0x0] =	wrdreg $0x60  }
0xaf: {  	[dreg:$0x2] =	wrdreg s2  }
0xb0: {  	[dreg:$0x3] =	wrdreg s18  }
0xb1: {  	[dreg:$0x4] =	wrdreg s24  }
0xb2: {  	[dreg:$0x5] =	wrdreg $0x9  }
0xb3: {  	_ =	task.clear_ibuf [dreg:s8], $0x6FFFF;
	_ =	strace $0x90000046  }
0xb4: {  	s29 =	simm.s32 $0x9;
	_ =	strace $0x80000048  }
0xb5: {  	_ =	swait.ge [sflag:s29], $0x1  }
0xb6: {  	[sflag:s29] =	ssyncadd.s32 $0xFFFFFFFF  }
0xb7: {  	_ =	strace $0x90000048  }
0xb8: {  	_ =	sfence  }
0xb9: {  	s30 =	sld [smem:$0x0];
	_ =	sdelay $0x2  }
0xba: {  	s31 =	sshll.u32 s1, $0xD;
	s1 =	sshrl.u32 s1, $0x2  }
0xbb: {  	s3 =	sand.u32 $0x4000, s31;
	s1 =	sadd.s32 s1, s30  }
0xbc: {  	s0 =	sor.u32 s3, s0;
	s1 =	sshll.u32 s1, $0x11  }
0xbd: {  	s0 =	sor.u32 s1, s0  }
0xbe: {  	s0 =	sadd.s32 $0x8F2B, s0  }
0xbf: {  	[sflag:s0] =	ssyncadd.remote.s32 $0x1  }
0xc0: {  	_ =	sfence.sel $0xFFFF  }
0xc1: {  	[dreg:$0x0] =	wrdreg $0xFFFFFFFF;
	(pc) =	sbr.abs _section_cstart, $3  }
0xc2: {  	[dreg:$0x1] =	wrdreg $0xFFFFFFFF  }
0xc3: {  	_ =	task.clear_ibuf [dreg:s8], $0x2FFFF;
	_ =	strace $0x9FFFFFFF  }
0xc4: {  	(tm) =	ssettm $0x7FFFFFFF  }
0xc5: {  	_ =	shalt  }
tec
execute0_lowered:
.L_overlay_start_1:
0x0: {  	(tag) =	ssettag $0x1  }
0x1: {  	s0 =	rddreg [dreg:$0x0]  }
0x2: {  	s10 =	rddreg [dreg:$0x1]  }
0x3: {  	s1 =	rddreg [dreg:$0x2];
	s2 =	srdreg.scid  }
0x4: {  	s6 =	stileid.u32;
	s4 =	simm.s32 $0x1;
	s5 =	simm.s32 $0x1  }
0x5: {  	s8 =	simm.s32 $0x3C1;
	s28 =	simm.s32 $0x400;
	s2 =	sand.u32 $0x1, s2  }
0x6: {  	s3 =	sshll.u32 s6, $0x1;
	p1 =	sgt.u32 s6, $0xB;
	p2 =	seq.s32 s6, $0xF  }
0x7: {  	s6 =	simm.s32 $0x26;
	s1 =	sadd.s32 $0x400, s1;
	s5 =	simm.s32 @!p1 $0x0  }
0x8: {  	s4 =	simm.s32 @!p2 $0x0;
	p0 =	por !p2, !p2;
	s3 =	sor.u32 s2, s3  }
0x9: {  	s4 =	sadd.s32 s4, s5;
	p0 =	por @!p1 p2, p2;
	s5 =	simm.s32 $0xFFFFFFE8  }
0xa: {  	s23 =	ssub.s32 $0x2, s2;
	p1 =	seq.s32 s4, $0x0;
	s5 =	simm.s32 @!p0 $0xFFFFFFE2  }
0xb: {  	s25 =	sshrl.u32 s23, $0x1;
	s6 =	simm.s32 @!p0 $0x19;
	s5 =	simm.s32 @p1 $0x0  }
0xc: {  	s6 =	simm.s32 @p1 $0x29;
	s3 =	sadd.s32 s5, s3;
	s5 =	simm.s32 $0xE1  }
0xd: {  	s8 =	simm.s32 @!p0 $0x4A2;
	s5 =	simm.s32 @!p0 $0x31;
	s7 =	smul.u32 s6, s3  }
0xe: {  	s4 =	sshll.u32 s4, $0x4;
	s8 =	simm.s32 @p1 $0x0;
	s5 =	simm.s32 @p1 $0x3C1  }
0xf: {  	s3 =	simm.s32 $0x0;
	p0 =	slt.s32 s7, s5;
	s9 =	smov.u32 s5  }
0x10: {  	s0 =	sadd.s32 s0, s4;
	[smem:$0x7FF] =	sst s3;
	s9 =	smov.u32 @p0 s7  }
0x11: {  	_ =	strace $0x80000047;
	[dreg:$0x5] =	wrdreg s1;
	s7 =	sadd.s32 s8, s9  }
0x12: {  	s1 =	ssub.s32 s23, s25;
	s6 =	sadd.s32 s6, s9;
	s24 =	sshrl.u32 s7, $0x3  }
0x13: {  	[dreg:$0x4] =	wrdreg s7;
	s7 =	sshll.u32 s7, $0x7;
	s2 =	smul.u32 $0x2800, s24  }
0x14: {  	[dreg:$0x7] =	wrdreg s0;
	p0 =	slt.s32 s6, s5;
	s7 =	sand.u32 $0x380, s7  }
0x15: {  	s1 =	smax.u32 s1, $0x1;
	s5 =	smov.u32 @p0 s6;
	s2 =	sor.u32 s7, s2  }
0x16: {  	[dreg:$0x9] =	wrdreg s1;
	s5 =	ssub.s32 s5, s9;
	s2 =	sshrl.u32 s2, $0x3  }
0x17: {  	s1 =	simm.s32 $0x0;
	[dreg:$0x6] =	wrdreg s5;
	s26 =	sadd.s32 s10, s2  }
.Ltmp0:
0x18: {  	s29 =	sadd.s32 $0x80, s26;
	[dreg:$0x8] =	wrdreg s26;
	(pc) =	sbr.rel .LBB2_1-.Ltmp0, $4  }
0x19: {  	p0 =	slt.s32 s5, $0x1;
	s30 =	sadd.s32 $0x100, s26;
	[dreg:$0xa] =	wrdreg s29  }
0x1a: {  	p1 =	seq.s32 s5, $0x1;
	s31 =	sadd.s32 $0x180, s26;
	[dreg:$0xb] =	wrdreg s30  }
0x1b: {  	p2 =	slt.u32 @!p1 s5, $0x3;
	s0 =	sadd.s32 $0x200, s26;
	[dreg:$0xc] =	wrdreg s31  }
0x1c: {  	s2 =	simm.s32 $0x80;
	p2 =	por p2, p1;
	[dreg:$0xd] =	wrdreg s0  }
.LBB2_6:
0x1d: {  	s1 =	rddreg [dreg:$0xe]  }
0x1e: {  	s0 =	rddreg [dreg:$0x9];
	s1 =	sadd.s32 $0x1, s1  }
0x1f: {  	p3 =	sne.s32 s1, s0  }
.Ltmp1:
0x20: {  	_ = 	snop;
	(pc) =	sbr.rel @!p3 .LBB2_7-.Ltmp1, $1  }
0x21: {  	_ =	sdelay $0x3  }
.LBB2_1:
0x22: {  	[dreg:$0xe] =	wrdreg s1  }
0x23: {  	s0 =	rddreg [dreg:$0x7];
	s9 =	simm.s32 $0x200;
	s4 =	simm.s32 $0x3  }
0x24: {  	[tilespmem:s3], [sflag:$0x3] =	stream.strided.gather [hbm4b:s0+s2], $0xE900, s9, s2, $0x38;
	[tilespmem:$0x1E300] =	vst v63  }
0x25: {  	_ =	swait.ge [sflag:s4], $0xE900  }
0x26: {  	[sflag:s4] =	ssyncset.done $0x0  }
0x27: {  	s11 =	simm.s32 $0xE900;
	s10 =	rddreg [dreg:$0x8];
	[sflag:s4] =	ssyncadd.s32 $0xFFFF1700  }
0x28: {  	[tilespmem:s11], [sflag:$0x3] =	stream.linear.gather [hbm4b:s10+s3], $0x80, $0x38;
	[tilespmem:$0x1E300] =	vst v63  }
0x29: {  	s6 =	simm.s32 $0xEA00;
	s12 =	rddreg [dreg:$0xa]  }
0x2a: {  	[tilespmem:s6], [sflag:$0x3] =	stream.linear.gather [hbm4b:s12+s3], $0x80, $0x38;
	[tilespmem:$0x1E300] =	vst v63  }
0x2b: {  	s14 =	simm.s32 $0xEB00;
	s13 =	rddreg [dreg:$0xb]  }
0x2c: {  	[tilespmem:s14], [sflag:$0x3] =	stream.linear.gather [hbm4b:s13+s3], $0x80, $0x38;
	[tilespmem:$0x1E300] =	vst v63  }
0x2d: {  	s16 =	simm.s32 $0xEC00;
	s15 =	rddreg [dreg:$0xc]  }
0x2e: {  	[tilespmem:s16], [sflag:$0x3] =	stream.linear.gather [hbm4b:s15+s3], $0x80, $0x38;
	[tilespmem:$0x1E300] =	vst v63  }
0x2f: {  	s18 =	simm.s32 $0xED00;
	s17 =	rddreg [dreg:$0xd]  }
0x30: {  	[tilespmem:s18], [sflag:$0x3] =	stream.linear.gather [hbm4b:s17+s3], $0x80, $0x38;
	[tilespmem:$0x1E300] =	vst v63  }
0x31: {  	s20 =	simm.s32 $0xEE00;
	s19 =	sadd.s32 $0x280, s10  }
0x32: {  	[tilespmem:s20], [sflag:$0x3] =	stream.linear.gather [hbm4b:s19+s3], $0x80, $0x38;
	[tilespmem:$0x1E300] =	vst v63  }
0x33: {  	s22 =	simm.s32 $0xEF00;
	s21 =	sadd.s32 $0x300, s10  }
0x34: {  	[tilespmem:s22], [sflag:$0x3] =	stream.linear.gather [hbm4b:s21+s3], $0x80, $0x38;
	[tilespmem:$0x1E300] =	vst v63  }
0x35: {  	s24 =	simm.s32 $0xF000;
	s23 =	sadd.s32 $0x380, s10  }
0x36: {  	[tilespmem:s24], [sflag:$0x3] =	stream.linear.gather [hbm4b:s23+s3], $0x80, $0x38;
	[tilespmem:$0x1E300] =	vst v63  }
0x37: {  	s26 =	simm.s32 $0xF100;
	s25 =	sadd.s32 $0x400, s10  }
0x38: {  	[tilespmem:s26], [sflag:$0x3] =	stream.linear.gather [hbm4b:s25+s3], $0x80, $0x38;
	[tilespmem:$0x1E300] =	vst v63  }
.Ltmp2:
0x39: {  	s30 =	simm.s32 $0xF200;
	s29 =	sadd.s32 $0x480, s10;
	(pc) =	sbr.rel @p0 .LBB2_6-.Ltmp2, $4  }
0x3a: {  	[tilespmem:s30], [sflag:$0x3] =	stream.linear.gather [hbm4b:s29+s3], $0x80, $0x38;
	[tilespmem:$0x1E300] =	vst v63  }
0x3b: {  	_ =	swait.ge [sflag:s4], $0x500  }
0x3c: {  	[sflag:s4] =	ssyncset.done $0x0  }
0x3d: {  	s31 =	simm.s32 $0x0;
	s0 =	simm.s32 $0x0;
	[sflag:s4] =	ssyncadd.s32 $0xFFFFFB00  }
.LBB2_2:
0x3e: {  	s2 =	sadd.s32 $0x1, s0;
	s1 =	rddreg [dreg:$0x4]  }
0x3f: {  	s1 =	sadd.s32 s1, s0;
	p3 =	sge.s32 s2, s5  }
0x40: {  	[dreg:$0xf] =	wrdreg s2;
	s2 =	sadd.s32 @!p3 $0x1, s1  }
0x41: {  	s4 =	sshrl.u32 @!p3 s2, $0x3  }
0x42: {  	s2 =	sshll.u32 @!p3 s2, $0x7;
	s4 =	smul.u32 @!p3 $0x2800, s4  }
0x43: {  	s5 =	sand.u32 $0x1, s0;
	s2 =	sand.u32 @!p3 $0x380, s2  }
0x44: {  	[dreg:$0x10] =	wrdreg s1;
	s6 =	sshll.u32 @!p3 s5, $0x7;
	s2 =	sor.u32 @!p3 s2, s4  }
0x45: {  	s1 =	rddreg [dreg:$0x1];
	s4 =	sxor.u32 @!p3 $0x80, s6;
	s2 =	sshrl.u32 @!p3 s2, $0x3  }
0x46: {  	s7 =	simm.s32 @!p3 $0x0;
	s6 =	sor.u32 @!p3 $0xE900, s4;
	s2 =	sadd.s32 @!p3 s1, s2  }
0x47: {  	[tilespmem:s6], [sflag:$0x1] =	stream.linear.gather @!p3 [hbm4b:s2+s7], $0x80, $0x38;
	[tilespmem:$0x1E300] =	vst v63  }
0x48: {  	s8 =	sor.u32 @!p3 $0xEA00, s4;
	s6 =	sadd.s32 @!p3 $0x80, s2  }
0x49: {  	[tilespmem:s8], [sflag:$0x1] =	stream.linear.gather @!p3 [hbm4b:s6+s7], $0x80, $0x38;
	[tilespmem:$0x1E300] =	vst v63  }
0x4a: {  	s6 =	sadd.s32 @!p3 $0x100, s2;
	s8 =	sor.u32 @!p3 $0xEB00, s4  }
0x4b: {  	[tilespmem:s8], [sflag:$0x1] =	stream.linear.gather @!p3 [hbm4b:s6+s7], $0x80, $0x38;
	[tilespmem:$0x1E300] =	vst v63  }
0x4c: {  	s6 =	sadd.s32 @!p3 $0x180, s2;
	s8 =	sor.u32 @!p3 $0xEC00, s4  }
0x4d: {  	[tilespmem:s8], [sflag:$0x1] =	stream.linear.gather @!p3 [hbm4b:s6+s7], $0x80, $0x38;
	[tilespmem:$0x1E300] =	vst v63  }
0x4e: {  	s6 =	sadd.s32 @!p3 $0x200, s2;
	s8 =	sor.u32 @!p3 $0xED00, s4  }
0x4f: {  	[tilespmem:s8], [sflag:$0x1] =	stream.linear.gather @!p3 [hbm4b:s6+s7], $0x80, $0x38;
	[tilespmem:$0x1E300] =	vst v63  }
0x50: {  	s6 =	sadd.s32 @!p3 $0x280, s2;
	s8 =	sor.u32 @!p3 $0xEE00, s4  }
0x51: {  	[tilespmem:s8], [sflag:$0x1] =	stream.linear.gather @!p3 [hbm4b:s6+s7], $0x80, $0x38;
	[tilespmem:$0x1E300] =	vst v63  }
0x52: {  	s6 =	sadd.s32 @!p3 $0x300, s2;
	s8 =	sor.u32 @!p3 $0xEF00, s4  }
0x53: {  	[tilespmem:s8], [sflag:$0x1] =	stream.linear.gather @!p3 [hbm4b:s6+s7], $0x80, $0x38;
	[tilespmem:$0x1E300] =	vst v63  }
0x54: {  	s6 =	sadd.s32 @!p3 $0x380, s2;
	s8 =	sor.u32 @!p3 $0xF000, s4  }
0x55: {  	[tilespmem:s8], [sflag:$0x1] =	stream.linear.gather @!p3 [hbm4b:s6+s7], $0x80, $0x38;
	[tilespmem:$0x1E300] =	vst v63  }
0x56: {  	s6 =	sadd.s32 @!p3 $0x400, s2;
	s8 =	sor.u32 @!p3 $0xF100, s4  }
0x57: {  	[tilespmem:s8], [sflag:$0x1] =	stream.linear.gather @!p3 [hbm4b:s6+s7], $0x80, $0x38;
	[tilespmem:$0x1E300] =	vst v63  }
0x58: {  	s2 =	sadd.s32 @!p3 $0x480, s2;
	s4 =	sor.u32 @!p3 $0xF200, s4  }
0x59: {  	[tilespmem:s4], [sflag:$0x1] =	stream.linear.gather @!p3 [hbm4b:s2+s7], $0x80, $0x38;
	[tilespmem:$0x1E300] =	vst v63  }
0x5a: {  	p3 =	seq.s32 s0, $0x0  }
0x5b: {  	s2 =	simm.s32 @!p3 $0x1  }
0x5c: {  	p4 =	slt.u32 @!p3 s0, $0x3;
	_ =	swait.ge @!p3 [sflag:s2], $0x500  }
0x5d: {  	p4 =	por p4, p3;
	[sflag:s2] =	ssyncset.done @!p3 $0x0  }
0x5e: {  	s0 =	simm.s32 @!p4 $0x2;
	[sflag:s2] =	ssyncadd.s32 @!p3 $0xFFFFFB00  }
0x5f: {  	_ =	swait.ge @!p4 [sflag:s0], $0x5000  }
0x60: {  	[sflag:s0] =	ssyncset.done @!p4 $0x0  }
0x61: {  	s16 =	sshll.u32 s5, $0x7;
	[sflag:s0] =	ssyncadd.s32 @!p4 $0xFFFFB000  }
0x62: {  	v0 =	vld [tilespmem:s16+$0xE900];
	_ =	sdelay $0x4  }
0x63: {  	v0 =	vmax.f32 v0, $0.0e+00  }
0x64: {  	v0 =	vmin.f32 v0, $3.720000000e+03  }
0x65: {  	v1 =	vtrunc.f32 v0  }
0x66: {  	v3 =	vcvt.f32.s32 v1;
	_ =	sdelay $0x1  }
0x67: {  	v1 =	vadd.s32 $0x82DA, v3  }
0x68: {  	v2 =	vadd.s32 $0xE8A, v3  }
0x69: {  	v4 =	vadd.s32 $0x1D14, v3  }
0x6a: {  	v6 =	vadd.s32 $0x2B9E, v3  }
0x6b: {  	v9 =	vadd.s32 $0x48B2, v3;
	v8 =	vld.idx.msk [tilespmem:v3+s3+$0x0], $0xffff  }
0x6c: {  	v14 =	vadd.s32 $0x65C6, v3;
	v7 =	vld.idx.msk [tilespmem:v1+s3+$0x0], $0xffff  }
0x6d: {  	v5 =	vcvt.s32.f32 v3;
	v19 =	vadd.s32 $0x9FEE, v3;
	v10 =	vld.idx.msk [tilespmem:v2+s3+$0x0], $0xffff  }
0x6e: {  	v13 =	vld.idx.msk [tilespmem:v4+s3+$0x0], $0xffff  }
0x6f: {  	v11 =	vadd.s32 $0x573C, v3;
	v12 =	vadd.s32 $0xDA16, v3;
	v1 =	vsub.f32 v0, v5;
	v6 =	vld.idx.msk [tilespmem:v6+s3+$0x0], $0xffff  }
0x70: {  	v15 =	vadd.s32 $0xBD02, v3;
	v16 =	vadd.s32 $0x9164, v3;
	v5 =	vadd.s32 $0x3A28, v3;
	v9 =	vld.idx.msk [tilespmem:v9+s3+$0x0], $0xffff  }
0x71: {  	s18 =	smul.u32 $0x14000, s31;
	v17 =	vadd.s32 $0xAE78, v3;
	v18 =	vadd.s32 $0x7450, v3;
	v14 =	vld.idx.msk [tilespmem:v14+s3+$0x0], $0xffff;
	v2 =	vsub.f32 $1.000000000e+00, v1  }
0x72: {  	v0 =	vmov s16;
	v4 =	vadd.s32 $0xCB8C, v3;
	v19 =	vld.idx.msk [tilespmem:v19+s3+$0x0], $0xffff;
	v20 =	vshll.u32 v8, $0x10  }
0x73: {  	s17 =	simm.s32 $0x10;
	s20 =	simm.s32 $0x0;
	s2 =	sshra.s32 s18, $0x2;
	v8 =	vmul.f32 v8, v2;
	v3 =	vshll.u32 v7, $0x10;
	v7 =	vmul.f32 v7, v2  }
0x74: {  	s13 =	sadd.s32 $0xF300, s2;
	s11 =	sadd.s32 $0xF800, s2;
	s0 =	smin.u32 s17, $0x4C3;
	v20 =	vmul.f32 v20, v1;
	v21 =	vshll.u32 v10, $0x10;
	v10 =	vmul.f32 v10, v2  }
0x75: {  	s21 =	sadd.s32 $0xFD00, s2;
	s15 =	sadd.s32 $0x10700, s2;
	s19 =	sshll.u32 s0, $0x1;
	v5 =	vld.idx.msk [tilespmem:v5+s3+$0x0], $0xffff;
	v22 =	vshll.u32 v13, $0x10;
	v24 =	vshll.u32 v6, $0x10;
	v6 =	vmul.f32 v6, v2  }
0x76: {  	s23 =	sadd.s32 $0x10C00, s2;
	s0 =	sand.u32 $0x73, s0;
	s4 =	sand.u32 $0xF00, s19;
	v11 =	vld.idx.msk [tilespmem:v11+s3+$0x0], $0xffff;
	v56 =	vshll.u32 v9, $0x10;
	v9 =	vmul.f32 v9, v2;
	v59 =	vshll.u32 v14, $0x10  }
0x77: {  	s22 =	sadd.s32 $0x11100, s2;
	s25 =	sadd.s32 $0x11B00, s2;
	s0 =	sor.u32 s0, s4;
	v4 =	vld.idx.msk [tilespmem:v4+s3+$0x0], $0xffff;
	v62 =	vshll.u32 v19, $0x10;
	v19 =	vmul.f32 v19, v2;
	v3 =	vmul.f32 v3, v1  }
0x78: {  	s24 =	sadd.s32 $0x12000, s2;
	s29 =	sadd.s32 $0x12500, s2;
	s26 =	sadd.s32 $0x12A00, s2;
	v23 =	vld.idx.msk [tilespmem:v0+s0+$0xE900 ss:$0x1], $0xffff;
	v21 =	vmul.f32 v21, v1;
	v22 =	vmul.f32 v22, v1;
	v8 =	vadd.f32 v20, v8  }
0x79: {  	s9 =	sadd.s32 $0x12F00, s2;
	s7 =	sadd.s32 $0x13400, s2;
	v17 =	vld.idx.msk [tilespmem:v17+s3+$0x0], $0xffff;
	s0 =	smin.u32 s20, $0x4C3;
	v3 =	vadd.f32 v3, v7;
	v7 =	vmul.f32 v13, v2;
	v13 =	vmul.f32 v24, v1  }
0x7a: {  	s14 =	sadd.s32 $0x13900, s2;
	s17 =	sadd.s32 $0x10200, s2;
	v16 =	vld.idx.msk [tilespmem:v16+s3+$0x0], $0xffff;
	s12 =	sand.u32 $0x780, s0;
	v10 =	vadd.f32 v21, v10;
	v54 =	vshll.u32 v5, $0x10;
	v5 =	vmul.f32 v5, v2  }
0x7b: {  	s19 =	sadd.s32 $0x11600, s2;
	v18 =	vld.idx.msk [tilespmem:v18+s3+$0x0], $0xffff;
	s18 =	sand.u32 $0x73, s0;
	s1 =	sadd.s32 s12, s13;
	v55 =	vadd.f32 v22, v7;
	v13 =	vadd.f32 v13, v6;
	v7 =	vmul.f32 v54, v1  }
0x7c: {  	s16 =	sadd.s32 $0x13E00, s2;
	v15 =	vld.idx.msk [tilespmem:v15+s3+$0x0], $0xffff;
	s4 =	sadd.s32 s12, s11;
	s0 =	sadd.s32 s18, s1;
	v6 =	vshll.u32 v11, $0x10;
	v11 =	vmul.f32 v11, v2;
	v58 =	vshll.u32 v4, $0x10  }
0x7d: {  	s5 =	sadd.s32 s12, s21;
	s6 =	sadd.s32 s12, s17;
	s2 =	sadd.s32 s18, s4;
	v57 =	vadd.f32 v7, v5;
	v7 =	vmul.f32 v6, v1;
	v6 =	vmax.f32 v23, $0.0e+00;
	v5 =	vld.idx.msk [tilespmem:v12+s3+$0x0], $0xffff;
	[tilespmem:s0+$0x0] =	vst v8  }
0x7e: {  	s8 =	sadd.s32 s12, s15;
	s10 =	sadd.s32 s12, s23;
	s20 =	sadd.s32 s12, s22;
	v12 =	vmul.f32 v56, v1;
	v6 =	vmin.f32 v6, $3.720000000e+03;
	[tilespmem:s2+$0x0] =	vst v10;
	v10 =	vmul.f32 v17, v2  }
0x7f: {  	s4 =	sadd.s32 s18, s5;
	s5 =	sadd.s32 s18, s6;
	s6 =	sadd.s32 s18, s10;
	v60 =	vadd.f32 v7, v11;
	v11 =	vmul.f32 v59, v1;
	v7 =	vmul.f32 v58, v1  }
0x80: {  	s1 =	sadd.s32 s12, s19;
	s20 =	sadd.s32 s18, s20;
	s10 =	sadd.s32 s12, s24;
	v8 =	vadd.f32 v12, v9;
	v9 =	vmul.f32 v14, v2;
	v12 =	vshll.u32 v17, $0x10  }
0x81: {  	s1 =	sadd.s32 s18, s1;
	s0 =	sadd.s32 s18, s8;
	s8 =	sadd.s32 s12, s25;
	v14 =	vtrunc.f32 v6;
	[tilespmem:s4+$0x0] =	vst v55;
	v17 =	vshll.u32 v18, $0x10;
	v18 =	vmul.f32 v18, v2  }
0x82: {  	s30 =	sadd.s32 s18, s10;
	s10 =	sadd.s32 s12, s29;
	s8 =	sadd.s32 s18, s8;
	[tilespmem:s5+$0x0] =	vst v13;
	v63 =	vadd.f32 v11, v9;
	v9 =	vmul.f32 v16, v2;
	v11 =	vmul.f32 v12, v1  }
0x83: {  	v61 =	vshll.u32 v16, $0x10;
	s2 =	sadd.s32 s18, s10;
	s4 =	sadd.s32 s12, s26;
	s5 =	sadd.s32 s12, s9;
	[tilespmem:s0+$0x0] =	vst v57;
	v16 =	vmul.f32 v17, v1;
	v17 =	vmul.f32 v62, v1  }
0x84: {  	s10 =	sadd.s32 s12, s7;
	v12 =	vshll.u32 v15, $0x10;
	[tilespmem:s6+$0x0] =	vst v8;
	s6 =	sadd.s32 s18, s4;
	s4 =	sadd.s32 s18, s5;
	v8 =	vcvt.f32.s32 v14;
	v13 =	vshll.u32 v5, $0x10  }
0x85: {  	s5 =	sadd.s32 s18, s10;
	v10 =	vadd.f32 v11, v10;
	v11 =	vmul.f32 v12, v1;
	[tilespmem:s20+$0x0] =	vst v60;
	v12 =	vmul.f32 v15, v2;
	s20 =	sadd.s32 s12, s14;
	s12 =	sadd.s32 s12, s16  }
0x86: {  	v15 =	vadd.f32 v16, v18;
	v16 =	vmul.f32 v61, v1;
	v14 =	vadd.f32 v17, v19;
	[tilespmem:s1+$0x0] =	vst v63;
	s0 =	sadd.s32 s18, s20;
	s20 =	sadd.s32 s18, s12;
	s18 =	simm.s32 $0x20  }
.LBB2_3:
0x87: {  	s1 =	smin.u32 s18, $0x4C3  }
0x88: {  	p3 =	sne.s32 s18, $0x4E0;
	v5 =	vmul.f32 v5, v2;
	v1 =	vmul.f32 v13, v1;
	s12 =	smov.u32 s18;
	s18 =	sadd.s32 $0x10, s18  }
0x89: {  	v2 =	vmul.f32 v4, v2;
	s10 =	sshll.u32 s1, $0x1;
	[tilespmem:s8+$0x0] =	vst v15;
	v9 =	vadd.f32 v16, v9  }
0x8a: {  	s8 =	sand.u32 $0xF00, s10;
	[tilespmem:s30+$0x0] =	vst v3  }
0x8b: {  	[tilespmem:s2+$0x0] =	vst v9  }
0x8c: {  	v4 =	vadd.f32 v11, v12;
	v3 =	vadd.s32 $0x82DA, v8;
	[tilespmem:s6+$0x0] =	vst v14  }
0x8d: {  	v2 =	vadd.f32 v7, v2;
	[tilespmem:s4+$0x0] =	vst v10  }
0x8e: {  	v7 =	vadd.s32 $0xE8A, v8;
	v9 =	vcvt.s32.f32 v8;
	[tilespmem:s5+$0x0] =	vst v4;
	v4 =	vadd.f32 v1, v5  }
0x8f: {  	v5 =	vadd.s32 $0x1D14, v8;
	[tilespmem:s0+$0x0] =	vst v2  }
0x90: {  	v1 =	vsub.f32 v6, v9;
	v2 =	vadd.s32 $0x2B9E, v8;
	[tilespmem:s20+$0x0] =	vst v4  }
0x91: {  	v4 =	vadd.s32 $0x3A28, v8;
	v3 =	vld.idx.msk [tilespmem:v3+s3+$0x0], $0xffff  }
0x92: {  	v9 =	vadd.s32 $0x48B2, v8;
	v6 =	vld.idx.msk [tilespmem:v8+s3+$0x0], $0xffff  }
0x93: {  	v7 =	vld.idx.msk [tilespmem:v7+s3+$0x0], $0xffff  }
0x94: {  	v11 =	vadd.s32 $0xDA16, v8;
	v10 =	vld.idx.msk [tilespmem:v5+s3+$0x0], $0xffff;
	v5 =	vadd.s32 $0x573C, v8  }
0x95: {  	v13 =	vadd.s32 $0x65C6, v8;
	v15 =	vadd.s32 $0xCB8C, v8;
	v14 =	vadd.s32 $0xBD02, v8;
	v12 =	vld.idx.msk [tilespmem:v2+s3+$0x0], $0xffff  }
0x96: {  	v17 =	vadd.s32 $0x9164, v8;
	v18 =	vadd.s32 $0xAE78, v8;
	s0 =	sand.u32 $0x73, s1;
	v2 =	vsub.f32 $1.000000000e+00, v1;
	v16 =	vld.idx.msk [tilespmem:v4+s3+$0x0], $0xffff  }
0x97: {  	v19 =	vadd.s32 $0x7450, v8;
	s0 =	sor.u32 s0, s8;
	v8 =	vadd.s32 $0x9FEE, v8;
	v4 =	vshll.u32 v3, $0x10;
	v9 =	vld.idx.msk [tilespmem:v9+s3+$0x0], $0xffff  }
0x98: {  	v21 =	vshll.u32 v6, $0x10;
	v6 =	vmul.f32 v6, v2;
	v3 =	vmul.f32 v3, v2;
	v20 =	vld.idx.msk [tilespmem:v0+s0+$0xE900 ss:$0x1], $0xffff  }
0x99: {  	v24 =	vmul.f32 v4, v1;
	v21 =	vmul.f32 v21, v1;
	v23 =	vshll.u32 v7, $0x10;
	v22 =	vld.idx.msk [tilespmem:v5+s3+$0x0], $0xffff  }
0x9a: {  	v7 =	vmul.f32 v7, v2;
	v5 =	vld.idx.msk [tilespmem:v11+s3+$0x0], $0xffff;
	v11 =	vmul.f32 v23, v1;
	v23 =	vshll.u32 v10, $0x10  }
0x9b: {  	v3 =	vadd.f32 v24, v3;
	v4 =	vld.idx.msk [tilespmem:v15+s3+$0x0], $0xffff;
	v15 =	vmul.f32 v23, v1;
	v23 =	vshll.u32 v12, $0x10  }
0x9c: {  	v10 =	vmul.f32 v10, v2;
	v13 =	vld.idx.msk [tilespmem:v13+s3+$0x0], $0xffff;
	v7 =	vadd.f32 v11, v7;
	v11 =	vmul.f32 v23, v1  }
0x9d: {  	s0 =	sadd.s32 $0xFFFFFFF0, s12;
	v12 =	vmul.f32 v12, v2;
	v23 =	vshll.u32 v16, $0x10;
	v16 =	vmul.f32 v16, v2;
	v18 =	vld.idx.msk [tilespmem:v18+s3+$0x0], $0xffff  }
0x9e: {  	s0 =	smin.u32 s0, $0x4C3;
	v21 =	vadd.f32 v21, v6;
	v10 =	vadd.f32 v15, v10;
	v6 =	vmul.f32 v23, v1;
	v17 =	vld.idx.msk [tilespmem:v17+s3+$0x0], $0xffff  }
0x9f: {  	s20 =	sand.u32 $0x780, s0;
	v11 =	vadd.f32 v11, v12;
	v12 =	vshll.u32 v9, $0x10;
	v15 =	vshll.u32 v22, $0x10;
	v8 =	vld.idx.msk [tilespmem:v8+s3+$0x0], $0xffff  }
0xa0: {  	s12 =	sand.u32 $0x73, s0;
	s0 =	sadd.s32 s20, s13;
	s1 =	sadd.s32 s20, s11;
	v9 =	vmul.f32 v9, v2;
	v16 =	vadd.f32 v6, v16;
	v15 =	vmul.f32 v15, v1;
	v19 =	vld.idx.msk [tilespmem:v19+s3+$0x0], $0xffff  }
0xa1: {  	s2 =	sadd.s32 s20, s21;
	s0 =	sadd.s32 s12, s0;
	s1 =	sadd.s32 s12, s1;
	v6 =	vmax.f32 v20, $0.0e+00;
	v20 =	vmul.f32 v22, v2;
	v22 =	vshll.u32 v4, $0x10;
	v14 =	vld.idx.msk [tilespmem:v14+s3+$0x0], $0xffff  }
0xa2: {  	s4 =	sadd.s32 s20, s15;
	v12 =	vmul.f32 v12, v1;
	v6 =	vmin.f32 v6, $3.720000000e+03;
	[tilespmem:s0+$0x0] =	vst v21;
	s0 =	sadd.s32 s12, s2;
	s2 =	sadd.s32 s20, s17;
	v21 =	vshll.u32 v13, $0x10  }
0xa3: {  	v15 =	vadd.f32 v15, v20;
	[tilespmem:s1+$0x0] =	vst v7;
	s1 =	sadd.s32 s12, s2;
	s2 =	sadd.s32 s12, s4;
	s4 =	sadd.s32 s20, s23;
	v20 =	vmul.f32 v21, v1;
	v7 =	vmul.f32 v22, v1  }
0xa4: {  	s5 =	sadd.s32 s20, s19;
	v9 =	vadd.f32 v12, v9;
	v12 =	vshll.u32 v18, $0x10;
	[tilespmem:s0+$0x0] =	vst v10;
	s0 =	sadd.s32 s12, s4;
	s4 =	sadd.s32 s20, s22;
	v10 =	vmul.f32 v13, v2  }
0xa5: {  	v21 =	vshll.u32 v17, $0x10;
	v13 =	vtrunc.f32 v6;
	[tilespmem:s1+$0x0] =	vst v11;
	s1 =	sadd.s32 s12, s4;
	s4 =	sadd.s32 s12, s5;
	s5 =	sadd.s32 s20, s25;
	v11 =	vmul.f32 v18, v2  }
0xa6: {  	v22 =	vmul.f32 v8, v2;
	v18 =	vshll.u32 v8, $0x10;
	[tilespmem:s2+$0x0] =	vst v16;
	v16 =	vshll.u32 v19, $0x10;
	s8 =	sadd.s32 s12, s5;
	s2 =	sadd.s32 s20, s24;
	s5 =	sadd.s32 s20, s29  }
.Ltmp3:
0xa7: {  	v8 =	vadd.f32 v20, v10;
	v10 =	vmul.f32 v12, v1;
	[tilespmem:s0+$0x0] =	vst v9;
	s30 =	sadd.s32 s12, s2;
	v9 =	vmul.f32 v17, v2;
	s2 =	sadd.s32 s12, s5;
	(pc) =	sbr.rel @p3 .LBB2_3-.Ltmp3, $4  }
0xa8: {  	v12 =	vshll.u32 v14, $0x10;
	v17 =	vmul.f32 v18, v1;
	s0 =	sadd.s32 s20, s26;
	s5 =	sadd.s32 s20, s7;
	[tilespmem:s1+$0x0] =	vst v15;
	v15 =	vmul.f32 v16, v1;
	s1 =	sadd.s32 s20, s9  }
0xa9: {  	v16 =	vmul.f32 v19, v2;
	s6 =	sadd.s32 s12, s0;
	v10 =	vadd.f32 v10, v11;
	v11 =	vmul.f32 v12, v1;
	s5 =	sadd.s32 s12, s5;
	[tilespmem:s4+$0x0] =	vst v8;
	s4 =	sadd.s32 s12, s1  }
0xaa: {  	v12 =	vmul.f32 v14, v2;
	s0 =	sadd.s32 s20, s14;
	v8 =	vcvt.f32.s32 v13;
	v13 =	vshll.u32 v5, $0x10;
	s1 =	sadd.s32 s20, s16  }
0xab: {  	v14 =	vadd.f32 v17, v22;
	s0 =	sadd.s32 s12, s0;
	v15 =	vadd.f32 v15, v16;
	v16 =	vmul.f32 v21, v1;
	s20 =	sadd.s32 s12, s1  }
0xac: {  	_ = 	snop  }
0xad: {  	[tilespmem:s8+$0x0] =	vst v15;
	v0 =	vadd.f32 v16, v9  }
0xae: {  	[tilespmem:s30+$0x0] =	vst v3;
	s30 =	rddreg [dreg:$0x10]  }
0xaf: {  	v61 =	vmul.f32 v4, v2;
	[tilespmem:s2+$0x0] =	vst v0;
	s1 =	sshrl.u32 s30, $0x3  }
0xb0: {  	v62 =	vmul.f32 v5, v2;
	v1 =	vmul.f32 v13, v1;
	v63 =	vadd.f32 v11, v12;
	s2 =	sshll.u32 s30, $0x7;
	[tilespmem:s6+$0x0] =	vst v14;
	s1 =	smul.u32 $0x2800, s1  }
0xb1: {  	v3 =	vadd.f32 v7, v61;
	s2 =	sand.u32 $0x380, s2;
	[tilespmem:s4+$0x0] =	vst v10  }
0xb2: {  	v0 =	vadd.f32 v1, v62;
	[tilespmem:s5+$0x0] =	vst v63;
	s1 =	sor.u32 s2, s1  }
0xb3: {  	s8 =	rddreg [dreg:$0x5];
	[tilespmem:s0+$0x0] =	vst v3;
	s6 =	sshrl.u32 s1, $0x3  }
0xb4: {  	s10 =	simm.s32 $0x80;
	[tilespmem:s20+$0x0] =	vst v0;
	s0 =	sadd.s32 s8, s6  }
0xb5: {  	[hbm4b:s0+s10] =	stream.strided.scatter [tilespmem:s13], [sflag:$0x2], $0x500, s28, s10, $0x38;
	[tilespmem:$0x1E300] =	vst v63  }
0xb6: {  	s1 =	sadd.s32 $0x30700, s0  }
0xb7: {  	[hbm4b:s1+s10] =	stream.strided.scatter [tilespmem:s11], [sflag:$0x2], $0x500, s28, s10, $0x38;
	[tilespmem:$0x1E300] =	vst v63  }
0xb8: {  	s12 =	sadd.s32 $0x60E00, s0  }
0xb9: {  	[hbm4b:s12+s10] =	stream.strided.scatter [tilespmem:s21], [sflag:$0x2], $0x500, s28, s10, $0x38;
	[tilespmem:$0x1E300] =	vst v63  }
0xba: {  	s13 =	sadd.s32 $0x91500, s0  }
0xbb: {  	[hbm4b:s13+s10] =	stream.strided.scatter [tilespmem:s17], [sflag:$0x2], $0x500, s28, s10, $0x38;
	[tilespmem:$0x1E300] =	vst v63  }
0xbc: {  	s17 =	sadd.s32 $0xC1C00, s0  }
0xbd: {  	[hbm4b:s17+s10] =	stream.strided.scatter [tilespmem:s15], [sflag:$0x2], $0x500, s28, s10, $0x38;
	[tilespmem:$0x1E300] =	vst v63  }
0xbe: {  	s18 =	sadd.s32 $0xF2300, s0  }
0xbf: {  	[hbm4b:s18+s10] =	stream.strided.scatter [tilespmem:s23], [sflag:$0x2], $0x500, s28, s10, $0x38;
	[tilespmem:$0x1E300] =	vst v63  }
0xc0: {  	s20 =	sadd.s32 $0x122A00, s0  }
0xc1: {  	[hbm4b:s20+s10] =	stream.strided.scatter [tilespmem:s22], [sflag:$0x2], $0x500, s28, s10, $0x38;
	[tilespmem:$0x1E300] =	vst v63  }
0xc2: {  	s21 =	sadd.s32 $0x153100, s0  }
0xc3: {  	[hbm4b:s21+s10] =	stream.strided.scatter [tilespmem:s19], [sflag:$0x2], $0x500, s28, s10, $0x38;
	[tilespmem:$0x1E300] =	vst v63  }
0xc4: {  	s22 =	sadd.s32 $0x183800, s0  }
0xc5: {  	[hbm4b:s22+s10] =	stream.strided.scatter [tilespmem:s25], [sflag:$0x2], $0x500, s28, s10, $0x38;
	[tilespmem:$0x1E300] =	vst v63  }
0xc6: {  	s23 =	sadd.s32 $0x1B3F00, s0  }
0xc7: {  	[hbm4b:s23+s10] =	stream.strided.scatter [tilespmem:s24], [sflag:$0x2], $0x500, s28, s10, $0x38;
	[tilespmem:$0x1E300] =	vst v63  }
0xc8: {  	s24 =	sadd.s32 $0x1E4600, s0  }
0xc9: {  	[hbm4b:s24+s10] =	stream.strided.scatter [tilespmem:s29], [sflag:$0x2], $0x500, s28, s10, $0x38;
	[tilespmem:$0x1E300] =	vst v63  }
0xca: {  	s25 =	sadd.s32 $0x214D00, s0  }
0xcb: {  	[hbm4b:s25+s10] =	stream.strided.scatter [tilespmem:s26], [sflag:$0x2], $0x500, s28, s10, $0x38;
	[tilespmem:$0x1E300] =	vst v63  }
0xcc: {  	s26 =	sadd.s32 $0x245400, s0  }
0xcd: {  	[hbm4b:s26+s10] =	stream.strided.scatter [tilespmem:s9], [sflag:$0x2], $0x500, s28, s10, $0x38;
	[tilespmem:$0x1E300] =	vst v63  }
0xce: {  	s29 =	sadd.s32 $0x275B00, s0  }
0xcf: {  	[hbm4b:s29+s10] =	stream.strided.scatter [tilespmem:s7], [sflag:$0x2], $0x500, s28, s10, $0x38;
	[tilespmem:$0x1E300] =	vst v63  }
0xd0: {  	s30 =	sadd.s32 $0x2A6200, s0  }
0xd1: {  	[hbm4b:s30+s10] =	stream.strided.scatter [tilespmem:s14], [sflag:$0x2], $0x500, s28, s10, $0x38;
	[tilespmem:$0x1E300] =	vst v63  }
0xd2: {  	s5 =	rddreg [dreg:$0x6];
	s0 =	sadd.s32 $0x2D6900, s0  }
0xd3: {  	[hbm4b:s0+s10] =	stream.strided.scatter [tilespmem:s16], [sflag:$0x2], $0x500, s28, s10, $0x38;
	[tilespmem:$0x1E300] =	vst v63  }
0xd4: {  	s0 =	rddreg [dreg:$0xf]  }
0xd5: {  	p4 =	slt.s32 s0, s5  }
.Ltmp4:
0xd6: {  	_ = 	snop;
	(pc) =	sbr.rel @p4 .LBB2_2-.Ltmp4, $3  }
0xd7: {  	_ =	sdelay $0x1  }
0xd8: {  	p3 =	seq.s32 s31, $0x2;
	s31 =	sadd.s32 $0x1, s31  }
0xd9: {  	s31 =	simm.s32 @p3 $0x0;
	s2 =	simm.s32 $0x80  }
0xda: {  	s0 =	simm.s32 $0x2  }
0xdb: {  	_ =	swait.ge [sflag:s0], $0x5000  }
0xdc: {  	[sflag:s0] =	ssyncset.done $0x0  }
0xdd: {  	[sflag:s0] =	ssyncadd.s32 $0xFFFFB000;
	s0 =	simm.s32 @!p1 $0x2  }
0xde: {  	_ =	swait.ge @!p1 [sflag:s0], $0x5000  }
.Ltmp5:
0xdf: {  	[sflag:s0] =	ssyncset.done @!p1 $0x0;
	(pc) =	sbr.rel .LBB2_6-.Ltmp5, $4  }
0xe0: {  	[sflag:s0] =	ssyncadd.s32 @!p1 $0xFFFFB000;
	s0 =	simm.s32 @!p2 $0x2  }
0xe1: {  	_ =	swait.ge @!p2 [sflag:s0], $0x5000  }
0xe2: {  	[sflag:s0] =	ssyncset.done @!p2 $0x0  }
0xe3: {  	[sflag:s0] =	ssyncadd.s32 @!p2 $0xFFFFB000  }
.LBB2_7:
0xe4: {  	_ =	sfence.sel $0x180000  }
0xe5: {  	[bflag:$0x0] =	sbarrier.arrive $0xFFFF  }
0xe6: {  	_ =	strace $0x90000047  }
0xe7: {  	s0 =	stileid.u32;
	[bflag:$0x2] =	sbarrier.arrive $0xFFFF  }
0xe8: {  	p0 =	sne.s32 s0, $0x0;
	s0 =	rddreg [dreg:$0x3]  }
0xe9: {  	s0 =	sadd.s32 @!p0 $0x100000, s0  }
0xea: {  	[sflag:s0] =	ssyncadd.tile.s32 @!p0 $0x1;
	_ =	shalt  }
.Lfunc_end2:
_tile_overlayer_lowered:
.L_overlay_start_2:
0xeb: {  	(tag) =	ssettag $0x2  }
0xec: {  	s0 =	rddreg [dreg:$0x0];
	s2 =	stileid.u32  }
0xed: {  	s1 =	rddreg [dreg:$0x1];
	p0 =	sne.s32 s2, $0x0  }
0xee: {  	s3 =	rddreg [dreg:$0x2];
	[bflag:$0x3] =	sbarrier.arrive $0xFFFF;
	s2 =	simm.s32 @!p0 $0x1C03  }
0xef: {  	[timem:s3], [sflag:s2] =	dma.local @!p0 [hbm:s0], s1  }
0xf0: {  	s0 =	simm.s32 @!p0 $0x3  }
0xf1: {  	_ =	swait.ge @!p0 [sflag:s0], s1  }
0xf2: {  	s1 =	ssub.s32 @!p0 $0x0, s1;
	[sflag:s0] =	ssyncset.done @!p0 $0x0  }
0xf3: {  	[sflag:s0] =	ssyncadd.s32 @!p0 s1  }
0xf4: {  	[bflag:$0x3] =	sbarrier.arrive $0xFFFF  }
0xf5: {  	_ =	shalt  }

</sc_bundles>
